<compile_context>
chip_gen: v7x
topology: tpu7x:2x2x1
jax: 0.10.2.dev20260603
libtpu: 0.0.44.dev20260713+nightly
codegen_flags: <defaults>
</compile_context>

<pallas_src>
import functools

import jax
import jax.numpy as jnp
from jax import lax
from jax.experimental import pallas as pl
from jax.experimental.pallas import tpu as pltpu
from jax.experimental.pallas import tpu_sc as plsc

D = 64
K = 16
B = 4
N = 4096
BN = B * N
BNK = BN * K
EPS = 1e-5

TN = 256
GR = 512
NW = 32
CHUNK = 128
PW = BNK // NW



def _proj_knn_body(xall_ref, xt_ref, yt_ref, wls_ref, wkey_ref, wq_ref,
                   bias_ref, y1_ref, tab_ref, q_ref, idx_ref):
    b = pl.program_id(0)
    xall = xall_ref[0]
    xt = xt_ref[...]
    yt = yt_ref[...]
    y1 = jnp.dot(yt, wls_ref[...], preferred_element_type=jnp.float32)
    y1 = y1 + bias_ref[0:1, :]
    key = jnp.dot(y1, wkey_ref[...], preferred_element_type=jnp.float32)
    key = key + bias_ref[1:2, :]
    q = jnp.dot(xt, wq_ref[...], preferred_element_type=jnp.float32)
    q = q + bias_ref[2:3, :]
    y1_ref[...] = y1
    tab_ref[...] = jnp.concatenate(
        [key, jnp.pad(xt, ((0, 0), (0, 56)))], axis=1)
    q_ref[...] = q

    sqa = jnp.sum(xall * xall, axis=0, keepdims=True)
    sqt = jnp.sum(xt * xt, axis=1, keepdims=True)
    d2 = sqt + sqa - 2.0 * jnp.dot(xt, xall, preferred_element_type=jnp.float32)
    iota = lax.broadcasted_iota(jnp.int32, (TN, N), 1)
    lane = lax.broadcasted_iota(jnp.int32, (TN, K), 1)
    acc = jnp.zeros((TN, K), jnp.int32)
    d = d2
    for k in range(K):
        m = jnp.min(d, axis=1, keepdims=True)
        eq = d == m
        ik = jnp.min(jnp.where(eq, iota, N), axis=1, keepdims=True)
        acc = jnp.where(lane == k, ik, acc)
        d = jnp.where(eq, jnp.inf, d)
    idx_ref[...] = acc + b * N


def _proj_knn(xp, xrp, yT, wlsT, wkeyT, wqT, bias):
    nt = N // TN
    f32 = jnp.float32
    return pl.pallas_call(
        _proj_knn_body,
        grid=(B, nt),
        in_specs=[
            pl.BlockSpec((1, 8, N), lambda b, i: (b, 0, 0)),
            pl.BlockSpec((TN, 8), lambda b, i: (b * nt + i, 0)),
            pl.BlockSpec((TN, D), lambda b, i: (b * nt + i, 0)),
            pl.BlockSpec((D, D), lambda b, i: (0, 0)),
            pl.BlockSpec((D, D), lambda b, i: (0, 0)),
            pl.BlockSpec((8, D), lambda b, i: (0, 0)),
            pl.BlockSpec((8, D), lambda b, i: (0, 0)),
        ],
        out_specs=[
            pl.BlockSpec((TN, D), lambda b, i: (b * nt + i, 0)),
            pl.BlockSpec((TN, 2 * D), lambda b, i: (b * nt + i, 0)),
            pl.BlockSpec((TN, D), lambda b, i: (b * nt + i, 0)),
            pl.BlockSpec((TN, K), lambda b, i: (b * nt + i, 0)),
        ],
        out_shape=[
            jax.ShapeDtypeStruct((BN, D), f32),
            jax.ShapeDtypeStruct((BN, 2 * D), f32),
            jax.ShapeDtypeStruct((BN, D), f32),
            jax.ShapeDtypeStruct((BN, K), jnp.int32),
        ],
    )(xp, xrp, yT, wlsT, wkeyT, wqT, bias)



NBUF = 4
NCH = PW // CHUNK


def _sc_gather_body(tab_hbm, idx_hbm, g_hbm, idx_v,
                    b0, b1, b2, b3, s0, s1, s2, s3):
    wid = lax.axis_index("s") * 2 + lax.axis_index("c")
    base = wid * PW
    pltpu.sync_copy(idx_hbm.at[pl.ds(base, PW)], idx_v)
    bufs = [(b0, s0), (b1, s1), (b2, s2), (b3, s3)]

    for b in range(NBUF):
        ids = idx_v.at[pl.ds(b * CHUNK, CHUNK)]
        pltpu.async_copy(tab_hbm.at[ids], bufs[b][0], bufs[b][1])

    def outer(g, carry):
        for b in range(NBUF):
            i = g * NBUF + b
            buf, sem = bufs[b]
            pltpu.make_async_copy(tab_hbm.at[pl.ds(0, CHUNK)], buf, sem).wait()
            pltpu.sync_copy(buf, g_hbm.at[pl.ds(base + i * CHUNK, CHUNK)])
            nxt = i + NBUF

            @pl.when(nxt < NCH)
            def _():
                ids2 = idx_v.at[pl.ds(nxt * CHUNK, CHUNK)]
                pltpu.async_copy(tab_hbm.at[ids2], buf, sem)
        return carry

    lax.fori_loop(0, NCH // NBUF, outer, 0)


def _sc_gather(tab_r, idx_flat):
    f32 = jnp.float32
    mesh = plsc.VectorSubcoreMesh(core_axis_name="c", subcore_axis_name="s")
    kern = pl.kernel(
        _sc_gather_body,
        mesh=mesh,
        out_type=jax.ShapeDtypeStruct((BNK, 2 * D), f32),
        scratch_types=(
            [pltpu.VMEM((PW,), jnp.int32)]
            + [pltpu.VMEM((CHUNK, 2 * D), f32)] * NBUF
            + [pltpu.SemaphoreType.DMA] * NBUF
        ),
    )
    return kern(tab_r, idx_flat)



def _accum(ref, part):
    @pl.when(pl.program_id(0) == 0)
    def _():
        ref[...] = part

    @pl.when(pl.program_id(0) != 0)
    def _():
        ref[...] += part


def _pos_stats_body(g_ref, xr_ref, sp_ref, mp_ref):
    xg = g_ref[...][:, :, D:D + 16]
    pr = xr_ref[...][:, None, :] - xg
    pr2 = pr.reshape(pr.shape[0] * K, 16)
    m = lax.dot_general(pr2, pr2, (((0,), (0,)), ((), ())),
                        preferred_element_type=jnp.float32)
    s = jnp.sum(pr2, axis=0, keepdims=True)
    _accum(mp_ref, m)
    _accum(sp_ref, jnp.broadcast_to(s, (8, 16)))


def _pos_stats(g3, x16):
    gp = 512
    nt = BN // gp
    f32 = jnp.float32
    return pl.pallas_call(
        _pos_stats_body,
        grid=(nt,),
        in_specs=[
            pl.BlockSpec((gp, K, 2 * D), lambda i: (i, 0, 0)),
            pl.BlockSpec((gp, 16), lambda i: (i, 0)),
        ],
        out_specs=[
            pl.BlockSpec((8, 16), lambda i: (0, 0)),
            pl.BlockSpec((16, 16), lambda i: (0, 0)),
        ],
        out_shape=[
            jax.ShapeDtypeStruct((8, 16), f32),
            jax.ShapeDtypeStruct((16, 16), f32),
        ],
    )(g3, x16)


def _pos_branch(xg, xr_ref, w1f_ref, wp2_ref, pk_ref):
    gr = xr_ref.shape[0]
    pr = xr_ref[...][:, None, :] - xg
    pr2 = pr.reshape(gr * K, 16)
    h = jnp.dot(pr2, w1f_ref[...], preferred_element_type=jnp.float32)
    h = jnp.maximum(h + pk_ref[0:1, :], 0.0)
    pe = jnp.dot(h, wp2_ref[...], preferred_element_type=jnp.float32)
    return pe + pk_ref[1:2, :]


def _t_stats_body(g_ref, xr_ref, q_ref, w1f_ref, wp2_ref, pk_ref,
                  st_ref, mt_ref):
    g = g_ref[...]
    pe = _pos_branch(g[:, :, D:D + 16], xr_ref, w1f_ref, wp2_ref, pk_ref)
    qk = q_ref[...][:, None, :] - g[:, :, :D]
    t = qk.reshape(GR * K, D) + pe
    m = lax.dot_general(t, t, (((0,), (0,)), ((), ())),
                        preferred_element_type=jnp.float32)
    s = jnp.sum(t, axis=0, keepdims=True)
    _accum(mt_ref, m)
    _accum(st_ref, jnp.broadcast_to(s, (8, D)))


def _t_stats(g3, x16, q_r, w1f, wp2T, pk64):
    nt = BN // GR
    f32 = jnp.float32
    return pl.pallas_call(
        _t_stats_body,
        grid=(nt,),
        in_specs=[
            pl.BlockSpec((GR, K, 2 * D), lambda i: (i, 0, 0)),
            pl.BlockSpec((GR, 16), lambda i: (i, 0)),
            pl.BlockSpec((GR, D), lambda i: (i, 0)),
            pl.BlockSpec((16, D), lambda i: (0, 0)),
            pl.BlockSpec((D, D), lambda i: (0, 0)),
            pl.BlockSpec((8, D), lambda i: (0, 0)),
        ],
        out_specs=[
            pl.BlockSpec((8, D), lambda i: (0, 0)),
            pl.BlockSpec((D, D), lambda i: (0, 0)),
        ],
        out_shape=[
            jax.ShapeDtypeStruct((8, D), f32),
            jax.ShapeDtypeStruct((D, D), f32),
        ],
    )(g3, x16, q_r, w1f, wp2T, pk64)



def _final_body(g_ref, xr_ref, q_ref, v_ref, id_ref,
                w1f_ref, wp2_ref, pk_ref, a1f_ref, pk256_ref, wa2_ref,
                wle_ref, out_ref):
    g = g_ref[...]
    pe = _pos_branch(g[:, :, D:D + 16], xr_ref, w1f_ref, wp2_ref, pk_ref)
    qk = q_ref[...][:, None, :] - g[:, :, :D]
    t = qk.reshape(GR * K, D) + pe
    a = jnp.dot(t, a1f_ref[...], preferred_element_type=jnp.float32)
    a = jnp.maximum(a + pk256_ref[0:1, :], 0.0)
    lg = jnp.dot(a, wa2_ref[...], preferred_element_type=jnp.float32)
    lg = lg + pk_ref[2:3, :]
    lg3 = lg.reshape(GR, K, D)
    mx = jnp.max(lg3, axis=1, keepdims=True)
    e = jnp.exp(lg3 - mx)
    attn = e / jnp.sum(e, axis=1, keepdims=True)
    val = v_ref[...][:, None, :] + pe.reshape(GR, K, D)
    agg = jnp.sum(attn * val, axis=1)
    out = jnp.dot(agg, wle_ref[...], preferred_element_type=jnp.float32)
    out_ref[...] = out + pk_ref[3:4, :] + id_ref[...]


def _final(g3, x16, q_r, y1_r, yT, w1f, wp2T, pk64, a1f, pk256, wa2T, wleT):
    nt = BN // GR
    f32 = jnp.float32
    return pl.pallas_call(
        _final_body,
        grid=(nt,),
        in_specs=[
            pl.BlockSpec((GR, K, 2 * D), lambda i: (i, 0, 0)),
            pl.BlockSpec((GR, 16), lambda i: (i, 0)),
            pl.BlockSpec((GR, D), lambda i: (i, 0)),
            pl.BlockSpec((GR, D), lambda i: (i, 0)),
            pl.BlockSpec((GR, D), lambda i: (i, 0)),
            pl.BlockSpec((16, D), lambda i: (0, 0)),
            pl.BlockSpec((D, D), lambda i: (0, 0)),
            pl.BlockSpec((8, D), lambda i: (0, 0)),
            pl.BlockSpec((D, 4 * D), lambda i: (0, 0)),
            pl.BlockSpec((8, 4 * D), lambda i: (0, 0)),
            pl.BlockSpec((4 * D, D), lambda i: (0, 0)),
            pl.BlockSpec((D, D), lambda i: (0, 0)),
        ],
        out_specs=[pl.BlockSpec((GR, D), lambda i: (i, 0))],
        out_shape=[jax.ShapeDtypeStruct((BN, D), f32)],
    )(g3, x16, q_r, y1_r, yT, w1f, wp2T, pk64, a1f, pk256, wa2T, wleT)[0]



def kernel(x, y, W_ls, b_ls, W_key, b_key, W_q, b_q, W_p1, b_p1, g_p, be_p,
           W_p2, b_p2, W_a1, b_a1, g_a, be_a, W_a2, b_a2, W_le, b_le):
    f32 = jnp.float32
    xp = jnp.pad(x, ((0, 0), (0, 5), (0, 0)))
    xr = jnp.transpose(x, (0, 2, 1))
    xrp = jnp.pad(xr, ((0, 0), (0, 0), (0, 5))).reshape(BN, 8)
    x16 = jnp.pad(xr, ((0, 0), (0, 0), (0, 13))).reshape(BN, 16)
    yT = jnp.transpose(y, (0, 2, 1)).reshape(BN, D)

    W_qp = jnp.pad(W_q, ((0, 0), (0, 5)))
    bias = jnp.zeros((8, D), f32).at[0].set(b_ls).at[1].set(b_key).at[2].set(b_q)

    y1_r, tab_r, q_r, idxg = _proj_knn(
        xp, xrp, yT, W_ls.T, W_key.T, W_qp.T, bias)

    g3 = _sc_gather(tab_r, idxg.reshape(BNK)).reshape(BN, K, 2 * D)

    sp, mp = _pos_stats(g3, x16)
    cnt = float(BNK)
    mu_p = sp[0] / cnt
    cov_p = mp / cnt - jnp.outer(mu_p, mu_p)
    W1p = jnp.pad(W_p1, ((0, 0), (0, 13)))
    m_o = W1p @ mu_p + b_p1
    v_o = ((W1p @ cov_p) * W1p).sum(1)
    s_p = g_p / jnp.sqrt(v_o + EPS)
    c_p = s_p * (b_p1 - m_o) + be_p
    w1f = W1p.T * s_p[None, :]
    pk64 = jnp.zeros((8, D), f32).at[0].set(c_p).at[1].set(b_p2)

    st, mt = _t_stats(g3, x16, q_r, w1f, W_p2.T, pk64)
    mu_t = st[0] / cnt
    cov_t = mt / cnt - jnp.outer(mu_t, mu_t)
    m_a = W_a1 @ mu_t + b_a1
    v_a = ((W_a1 @ cov_t) * W_a1).sum(1)
    s_a = g_a / jnp.sqrt(v_a + EPS)
    c_a = s_a * (b_a1 - m_a) + be_a
    a1f = W_a1.T * s_a[None, :]
    pk64 = pk64.at[2].set(b_a2).at[3].set(b_le)
    pk256 = jnp.zeros((8, 4 * D), f32).at[0].set(c_a)

    out_r = _final(g3, x16, q_r, y1_r, yT,
                   w1f, W_p2.T, pk64, a1f, pk256, W_a2.T, W_le.T)
    return jnp.transpose(out_r.reshape(B, N, D), (0, 2, 1))

# --- scband reference (transcript-rebuilt; emitter-appended) ---
"""Pipeline reference for scband-cross-attention-66571993088196 (READ-ONLY COPY).

The authoritative reference and input builder live on the scoring server;
editing this copy changes nothing except your own understanding.
"""

import jax, jax.numpy as jnp
import numpy as np

D = 64
KNN = 16
POS_HID = 64
MULT = 4
B, N = 4, 4096

def _p(k, shape, scale=0.05):
    return jax.random.normal(k, shape, dtype=jnp.float32) * scale

def setup_inputs(seed: int = 0):
    key = jax.random.key(seed)
    ks = jax.random.split(key, 12)
    inp = {
        'x': jax.random.uniform(ks[0], (B, 3, N), dtype=jnp.float32),
        'y': jax.random.normal(ks[1], (B, D, N), dtype=jnp.float32),
        'W_ls': _p(ks[2], (D, D)), 'b_ls': jnp.zeros((D,), jnp.float32),
        'W_key': _p(ks[3], (D, D)), 'b_key': jnp.zeros((D,), jnp.float32),
        'W_q': _p(ks[4], (D, 3)), 'b_q': jnp.zeros((D,), jnp.float32),
        'W_p1': _p(ks[5], (POS_HID, 3)), 'b_p1': jnp.zeros((POS_HID,), jnp.float32),
        'g_p': jnp.ones((POS_HID,), jnp.float32), 'be_p': jnp.zeros((POS_HID,), jnp.float32),
        'W_p2': _p(ks[6], (D, POS_HID)), 'b_p2': jnp.zeros((D,), jnp.float32),
        'W_a1': _p(ks[7], (D*MULT, D)), 'b_a1': jnp.zeros((D*MULT,), jnp.float32),
        'g_a': jnp.ones((D*MULT,), jnp.float32), 'be_a': jnp.zeros((D*MULT,), jnp.float32),
        'W_a2': _p(ks[8], (D, D*MULT)), 'b_a2': jnp.zeros((D,), jnp.float32),
        'W_le': _p(ks[9], (D, D)), 'b_le': jnp.zeros((D,), jnp.float32),
    }
    return inp

def _conv1(W, b, t):
    return jnp.einsum('oc,bcn->bon', W, t) + b[None, :, None]

def _conv2(W, b, t):
    return jnp.einsum('oc,bcnk->bonk', W, t) + b[None, :, None, None]

def _bn(g, be, t, eps=1e-5):
    m = jnp.mean(t, axis=(0, 2, 3), keepdims=True)
    v = jnp.var(t, axis=(0, 2, 3), keepdims=True)
    return g[None, :, None, None] * (t - m) / jnp.sqrt(v + eps) + be[None, :, None, None]

def _knn(x, k):
    pts = jnp.transpose(x, (0, 2, 1))
    sq = jnp.sum(pts * pts, -1)
    d2 = sq[:, :, None] + sq[:, None, :] - 2.0 * jnp.einsum('bnd,bmd->bnm', pts, pts)
    _, idx = jax.lax.top_k(-d2, k)
    return idx

def _group(feat, idx):
    return jax.vmap(lambda f, i: f[:, i])(feat, idx)

def reference(x, y, W_ls, b_ls, W_key, b_key, W_q, b_q, W_p1, b_p1, g_p, be_p, W_p2, b_p2, W_a1, b_a1, g_a, be_a, W_a2, b_a2, W_le, b_le):
    identity = y
    y1 = _conv1(W_ls, b_ls, y)
    idx = _knn(x, KNN)
    key = _conv1(W_key, b_key, y1)
    value = y1
    query = _conv1(W_q, b_q, x)
    key_g = _group(key, idx)
    qk_rel = query[:, :, :, None] - key_g
    pos_rel = x[:, :, :, None] - _group(x, idx)
    h = jax.nn.relu(_bn(g_p, be_p, _conv2(W_p1, b_p1, pos_rel)))
    pos_emb = _conv2(W_p2, b_p2, h)
    a = jax.nn.relu(_bn(g_a, be_a, _conv2(W_a1, b_a1, qk_rel + pos_emb)))
    attn = _conv2(W_a2, b_a2, a)
    attn = jax.nn.softmax(attn, axis=-1)
    val = value[:, :, :, None] + pos_emb
    agg = jnp.sum(attn * val, axis=-1)
    out = _conv1(W_le, b_le, agg)
    return out + identity

if __name__ == "__main__":
    import jax
    _d = setup_inputs()
    print(jax.jit(kernel)(*tuple(_d.values())))

</pallas_src>

<mosaic_0001>
#map = affine_map<(d0, d1) -> (0, 0)>
#map1 = affine_map<(d0, d1) -> (0)>
module attributes {stable_mosaic.version = 14 : i64} {
  func.func @_sc_gather_body(%arg0: i32, %arg1: i32, %arg2: memref<16384x128xf32, #tpu.memory_space<hbm>>, %arg3: memref<262144xi32, #tpu.memory_space<hbm>>, %arg4: memref<262144x128xf32, #tpu.memory_space<hbm>>, %arg5: memref<8192xi32, #tpu.memory_space<vmem>>, %arg6: memref<128x128xf32, #tpu.memory_space<vmem>>, %arg7: memref<128x128xf32, #tpu.memory_space<vmem>>, %arg8: memref<128x128xf32, #tpu.memory_space<vmem>>, %arg9: memref<128x128xf32, #tpu.memory_space<vmem>>, %arg10: memref<!tpu.dma_semaphore, #tpu.memory_space<semaphore_mem>>, %arg11: memref<!tpu.dma_semaphore, #tpu.memory_space<semaphore_mem>>, %arg12: memref<!tpu.dma_semaphore, #tpu.memory_space<semaphore_mem>>, %arg13: memref<!tpu.dma_semaphore, #tpu.memory_space<semaphore_mem>>) attributes {dimension_semantics = [#tpu.dimension_semantics<core_parallel>, #tpu.dimension_semantics<subcore_parallel>], iteration_bounds = array<i64: 2, 16>, scalar_prefetch = 0 : i64, scratch_operands = 9 : i64, tpu.core_type = #tpu.core_type<sc_vector_subcore>, window_params = [{transform_indices = #map}, {transform_indices = #map1}, {transform_indices = #map}]} {
    %mul3A = arith.constant 2 : i32
    %mul3A_0 = arith.muli %arg1, %mul3A : i32
    %add3A = arith.addi %mul3A_0, %arg0 : i32
    %mul3A_1 = arith.constant 8192 : i32
    %mul3A_2 = arith.muli %add3A, %mul3A_1 : i32
    "tpu.region"() ({
      %run_scoped3A = tpu.sem_alloc : memref<!tpu.dma_semaphore, #tpu.memory_space<semaphore_mem>>
      %dma_start3A_27 = tpu.memref_slice %arg3[%mul3A_2] : memref<262144xi32, #tpu.memory_space<hbm>> -> memref<8192xi32, #tpu.memory_space<hbm>>
      %dma_start3A_28 = tpu.memref_slice %arg3[%mul3A_2] : memref<262144xi32, #tpu.memory_space<hbm>> -> memref<8192xi32, #tpu.memory_space<hbm>>
      tpu.enqueue_dma source(%dma_start3A_28 : memref<8192xi32, #tpu.memory_space<hbm>>) target(%arg5 : memref<8192xi32, #tpu.memory_space<vmem>>) target_semaphore(%run_scoped3A : memref<!tpu.dma_semaphore, #tpu.memory_space<semaphore_mem>>)
      %dma_wait3A = tpu.memref_slice %arg3[%mul3A_2] : memref<262144xi32, #tpu.memory_space<hbm>> -> memref<8192xi32, #tpu.memory_space<hbm>>
      %dma_wait3A_29 = tpu.memref_slice %arg3[%mul3A_2] : memref<262144xi32, #tpu.memory_space<hbm>> -> memref<8192xi32, #tpu.memory_space<hbm>>
      tpu.wait_dma2 semaphore(%run_scoped3A : memref<!tpu.dma_semaphore, #tpu.memory_space<semaphore_mem>>) src(%dma_wait3A_29 : memref<8192xi32, #tpu.memory_space<hbm>>) dst(%arg5 : memref<8192xi32, #tpu.memory_space<vmem>>)
      tpu.yield
    }) : () -> ()
    %dma_start3A = arith.constant 0 : i32
    %dma_start3A_3 = tpu.memref_slice %arg5[%dma_start3A] : memref<8192xi32, #tpu.memory_space<vmem>> -> memref<128xi32, #tpu.memory_space<vmem>>
    %dma_start3A_4 = arith.constant 0 : i32
    %dma_start3A_5 = arith.constant 0 : i32
    %dma_start3A_6 = tpu.memref_slice %arg2[%dma_start3A_4, %dma_start3A_5] : memref<16384x128xf32, #tpu.memory_space<hbm>> -> memref<16384x128xf32, #tpu.memory_space<hbm>>
    tpu.enqueue_indirect_dma source(%dma_start3A_6 : memref<16384x128xf32, #tpu.memory_space<hbm>>) target(%arg6 : memref<128x128xf32, #tpu.memory_space<vmem>>) offsets(%dma_start3A_3 : memref<128xi32, #tpu.memory_space<vmem>>) semaphore(%arg10 : memref<!tpu.dma_semaphore, #tpu.memory_space<semaphore_mem>>)
    %dma_start3A_7 = arith.constant 128 : i32
    %dma_start3A_8 = tpu.memref_slice %arg5[%dma_start3A_7] : memref<8192xi32, #tpu.memory_space<vmem>> -> memref<128xi32, #tpu.memory_space<vmem>>
    %dma_start3A_9 = arith.constant 0 : i32
    %dma_start3A_10 = arith.constant 0 : i32
    %dma_start3A_11 = tpu.memref_slice %arg2[%dma_start3A_9, %dma_start3A_10] : memref<16384x128xf32, #tpu.memory_space<hbm>> -> memref<16384x128xf32, #tpu.memory_space<hbm>>
    tpu.enqueue_indirect_dma source(%dma_start3A_11 : memref<16384x128xf32, #tpu.memory_space<hbm>>) target(%arg7 : memref<128x128xf32, #tpu.memory_space<vmem>>) offsets(%dma_start3A_8 : memref<128xi32, #tpu.memory_space<vmem>>) semaphore(%arg11 : memref<!tpu.dma_semaphore, #tpu.memory_space<semaphore_mem>>)
    %dma_start3A_12 = arith.constant 256 : i32
    %dma_start3A_13 = tpu.memref_slice %arg5[%dma_start3A_12] : memref<8192xi32, #tpu.memory_space<vmem>> -> memref<128xi32, #tpu.memory_space<vmem>>
    %dma_start3A_14 = arith.constant 0 : i32
    %dma_start3A_15 = arith.constant 0 : i32
    %dma_start3A_16 = tpu.memref_slice %arg2[%dma_start3A_14, %dma_start3A_15] : memref<16384x128xf32, #tpu.memory_space<hbm>> -> memref<16384x128xf32, #tpu.memory_space<hbm>>
    tpu.enqueue_indirect_dma source(%dma_start3A_16 : memref<16384x128xf32, #tpu.memory_space<hbm>>) target(%arg8 : memref<128x128xf32, #tpu.memory_space<vmem>>) offsets(%dma_start3A_13 : memref<128xi32, #tpu.memory_space<vmem>>) semaphore(%arg12 : memref<!tpu.dma_semaphore, #tpu.memory_space<semaphore_mem>>)
    %dma_start3A_17 = arith.constant 384 : i32
    %dma_start3A_18 = tpu.memref_slice %arg5[%dma_start3A_17] : memref<8192xi32, #tpu.memory_space<vmem>> -> memref<128xi32, #tpu.memory_space<vmem>>
    %dma_start3A_19 = arith.constant 0 : i32
    %dma_start3A_20 = arith.constant 0 : i32
    %dma_start3A_21 = tpu.memref_slice %arg2[%dma_start3A_19, %dma_start3A_20] : memref<16384x128xf32, #tpu.memory_space<hbm>> -> memref<16384x128xf32, #tpu.memory_space<hbm>>
    tpu.enqueue_indirect_dma source(%dma_start3A_21 : memref<16384x128xf32, #tpu.memory_space<hbm>>) target(%arg9 : memref<128x128xf32, #tpu.memory_space<vmem>>) offsets(%dma_start3A_18 : memref<128xi32, #tpu.memory_space<vmem>>) semaphore(%arg13 : memref<!tpu.dma_semaphore, #tpu.memory_space<semaphore_mem>>)
    %scan3A = arith.constant 0 : i32
    %scan3A_22 = arith.constant 0 : i32
    %scan3A_23 = arith.constant 16 : i32
    %scan3A_24 = arith.addi %scan3A_22, %scan3A_23 : i32
    %scan3A_25 = arith.constant 1 : i32
    scf.for %scan3A_27 = %scan3A_22 to %scan3A_24 step %scan3A_25  : i32 {
      %mul3A_28 = arith.constant 4 : i32
      %mul3A_29 = arith.muli %scan3A_27, %mul3A_28 : i32
      %add3A_30 = arith.constant 0 : i32
      %add3A_31 = arith.addi %mul3A_29, %add3A_30 : i32
      %dma_wait3A = arith.constant 0 : i32
      %dma_wait3A_32 = arith.constant 0 : i32
      %dma_wait3A_33 = tpu.memref_slice %arg2[%dma_wait3A, %dma_wait3A_32] : memref<16384x128xf32, #tpu.memory_space<hbm>> -> memref<128x128xf32, #tpu.memory_space<hbm>>
      %dma_wait3A_34 = arith.constant 0 : i32
      %dma_wait3A_35 = arith.constant 0 : i32
      %dma_wait3A_36 = tpu.memref_slice %arg2[%dma_wait3A_34, %dma_wait3A_35] : memref<16384x128xf32, #tpu.memory_space<hbm>> -> memref<128x128xf32, #tpu.memory_space<hbm>>
      tpu.wait_dma2 semaphore(%arg10 : memref<!tpu.dma_semaphore, #tpu.memory_space<semaphore_mem>>) src(%dma_wait3A_36 : memref<128x128xf32, #tpu.memory_space<hbm>>) dst(%arg6 : memref<128x128xf32, #tpu.memory_space<vmem>>)
      %mul3A_37 = arith.constant 128 : i32
      %mul3A_38 = arith.muli %add3A_31, %mul3A_37 : i32
      %add3A_39 = arith.addi %mul3A_2, %mul3A_38 : i32
      "tpu.region"() ({
        %run_scoped3A = tpu.sem_alloc : memref<!tpu.dma_semaphore, #tpu.memory_space<semaphore_mem>>
        %dma_start3A_104 = arith.constant 0 : i32
        %dma_start3A_105 = tpu.memref_slice %arg4[%add3A_39, %dma_start3A_104] : memref<262144x128xf32, #tpu.memory_space<hbm>> -> memref<128x128xf32, #tpu.memory_space<hbm>>
        %dma_start3A_106 = arith.constant 0 : i32
        %dma_start3A_107 = tpu.memref_slice %arg4[%add3A_39, %dma_start3A_106] : memref<262144x128xf32, #tpu.memory_space<hbm>> -> memref<128x128xf32, #tpu.memory_space<hbm>>
        tpu.enqueue_dma source(%arg6 : memref<128x128xf32, #tpu.memory_space<vmem>>) target(%dma_start3A_107 : memref<128x128xf32, #tpu.memory_space<hbm>>) target_semaphore(%run_scoped3A : memref<!tpu.dma_semaphore, #tpu.memory_space<semaphore_mem>>)
        %dma_wait3A_108 = arith.constant 0 : i32
        %dma_wait3A_109 = tpu.memref_slice %arg4[%add3A_39, %dma_wait3A_108] : memref<262144x128xf32, #tpu.memory_space<hbm>> -> memref<128x128xf32, #tpu.memory_space<hbm>>
        %dma_wait3A_110 = arith.constant 0 : i32
        %dma_wait3A_111 = tpu.memref_slice %arg4[%add3A_39, %dma_wait3A_110] : memref<262144x128xf32, #tpu.memory_space<hbm>> -> memref<128x128xf32, #tpu.memory_space<hbm>>
        tpu.wait_dma2 semaphore(%run_scoped3A : memref<!tpu.dma_semaphore, #tpu.memory_space<semaphore_mem>>) src(%arg6 : memref<128x128xf32, #tpu.memory_space<vmem>>) dst(%dma_wait3A_111 : memref<128x128xf32, #tpu.memory_space<hbm>>)
        tpu.yield
      }) : () -> ()
      %add3A_40 = arith.constant 4 : i32
      %add3A_41 = arith.addi %add3A_31, %add3A_40 : i32
      %lt3A = arith.constant 64 : i32
      %lt3A_42 = arith.cmpi slt, %add3A_41, %lt3A : i32
      %convert_element_type3A = arith.extui %lt3A_42 : i1 to i32
      %cond3A = arith.constant 0 : i32
      %cond3A_43 = arith.cmpi ne, %convert_element_type3A, %cond3A : i32
      scf.if %cond3A_43 {
        %mul3A_104 = arith.constant 128 : i32
        %mul3A_105 = arith.muli %add3A_41, %mul3A_104 : i32
        %dma_start3A_106 = tpu.memref_slice %arg5[%mul3A_105] : memref<8192xi32, #tpu.memory_space<vmem>> -> memref<128xi32, #tpu.memory_space<vmem>>
        %dma_start3A_107 = arith.constant 0 : i32
        %dma_start3A_108 = arith.constant 0 : i32
        %dma_start3A_109 = tpu.memref_slice %arg2[%dma_start3A_107, %dma_start3A_108] : memref<16384x128xf32, #tpu.memory_space<hbm>> -> memref<16384x128xf32, #tpu.memory_space<hbm>>
        tpu.enqueue_indirect_dma source(%dma_start3A_109 : memref<16384x128xf32, #tpu.memory_space<hbm>>) target(%arg6 : memref<128x128xf32, #tpu.memory_space<vmem>>) offsets(%dma_start3A_106 : memref<128xi32, #tpu.memory_space<vmem>>) semaphore(%arg10 : memref<!tpu.dma_semaphore, #tpu.memory_space<semaphore_mem>>)
      } else {
      }
      %mul3A_44 = arith.constant 4 : i32
      %mul3A_45 = arith.muli %scan3A_27, %mul3A_44 : i32
      %add3A_46 = arith.constant 1 : i32
      %add3A_47 = arith.addi %mul3A_45, %add3A_46 : i32
      %dma_wait3A_48 = arith.constant 0 : i32
      %dma_wait3A_49 = arith.constant 0 : i32
      %dma_wait3A_50 = tpu.memref_slice %arg2[%dma_wait3A_48, %dma_wait3A_49] : memref<16384x128xf32, #tpu.memory_space<hbm>> -> memref<128x128xf32, #tpu.memory_space<hbm>>
      %dma_wait3A_51 = arith.constant 0 : i32
      %dma_wait3A_52 = arith.constant 0 : i32
      %dma_wait3A_53 = tpu.memref_slice %arg2[%dma_wait3A_51, %dma_wait3A_52] : memref<16384x128xf32, #tpu.memory_space<hbm>> -> memref<128x128xf32, #tpu.memory_space<hbm>>
      tpu.wait_dma2 semaphore(%arg11 : memref<!tpu.dma_semaphore, #tpu.memory_space<semaphore_mem>>) src(%dma_wait3A_53 : memref<128x128xf32, #tpu.memory_space<hbm>>) dst(%arg7 : memref<128x128xf32, #tpu.memory_space<vmem>>)
      %mul3A_54 = arith.constant 128 : i32
      %mul3A_55 = arith.muli %add3A_47, %mul3A_54 : i32
      %add3A_56 = arith.addi %mul3A_2, %mul3A_55 : i32
      "tpu.region"() ({
        %run_scoped3A = tpu.sem_alloc : memref<!tpu.dma_semaphore, #tpu.memory_space<semaphore_mem>>
        %dma_start3A_104 = arith.constant 0 : i32
        %dma_start3A_105 = tpu.memref_slice %arg4[%add3A_56, %dma_start3A_104] : memref<262144x128xf32, #tpu.memory_space<hbm>> -> memref<128x128xf32, #tpu.memory_space<hbm>>
        %dma_start3A_106 = arith.constant 0 : i32
        %dma_start3A_107 = tpu.memref_slice %arg4[%add3A_56, %dma_start3A_106] : memref<262144x128xf32, #tpu.memory_space<hbm>> -> memref<128x128xf32, #tpu.memory_space<hbm>>
        tpu.enqueue_dma source(%arg7 : memref<128x128xf32, #tpu.memory_space<vmem>>) target(%dma_start3A_107 : memref<128x128xf32, #tpu.memory_space<hbm>>) target_semaphore(%run_scoped3A : memref<!tpu.dma_semaphore, #tpu.memory_space<semaphore_mem>>)
        %dma_wait3A_108 = arith.constant 0 : i32
        %dma_wait3A_109 = tpu.memref_slice %arg4[%add3A_56, %dma_wait3A_108] : memref<262144x128xf32, #tpu.memory_space<hbm>> -> memref<128x128xf32, #tpu.memory_space<hbm>>
        %dma_wait3A_110 = arith.constant 0 : i32
        %dma_wait3A_111 = tpu.memref_slice %arg4[%add3A_56, %dma_wait3A_110] : memref<262144x128xf32, #tpu.memory_space<hbm>> -> memref<128x128xf32, #tpu.memory_space<hbm>>
        tpu.wait_dma2 semaphore(%run_scoped3A : memref<!tpu.dma_semaphore, #tpu.memory_space<semaphore_mem>>) src(%arg7 : memref<128x128xf32, #tpu.memory_space<vmem>>) dst(%dma_wait3A_111 : memref<128x128xf32, #tpu.memory_space<hbm>>)
        tpu.yield
      }) : () -> ()
      %add3A_57 = arith.constant 4 : i32
      %add3A_58 = arith.addi %add3A_47, %add3A_57 : i32
      %lt3A_59 = arith.constant 64 : i32
      %lt3A_60 = arith.cmpi slt, %add3A_58, %lt3A_59 : i32
      %convert_element_type3A_61 = arith.extui %lt3A_60 : i1 to i32
      %cond3A_62 = arith.constant 0 : i32
      %cond3A_63 = arith.cmpi ne, %convert_element_type3A_61, %cond3A_62 : i32
      scf.if %cond3A_63 {
        %mul3A_104 = arith.constant 128 : i32
        %mul3A_105 = arith.muli %add3A_58, %mul3A_104 : i32
        %dma_start3A_106 = tpu.memref_slice %arg5[%mul3A_105] : memref<8192xi32, #tpu.memory_space<vmem>> -> memref<128xi32, #tpu.memory_space<vmem>>
        %dma_start3A_107 = arith.constant 0 : i32
        %dma_start3A_108 = arith.constant 0 : i32
        %dma_start3A_109 = tpu.memref_slice %arg2[%dma_start3A_107, %dma_start3A_108] : memref<16384x128xf32, #tpu.memory_space<hbm>> -> memref<16384x128xf32, #tpu.memory_space<hbm>>
        tpu.enqueue_indirect_dma source(%dma_start3A_109 : memref<16384x128xf32, #tpu.memory_space<hbm>>) target(%arg7 : memref<128x128xf32, #tpu.memory_space<vmem>>) offsets(%dma_start3A_106 : memref<128xi32, #tpu.memory_space<vmem>>) semaphore(%arg11 : memref<!tpu.dma_semaphore, #tpu.memory_space<semaphore_mem>>)
      } else {
      }
      %mul3A_64 = arith.constant 4 : i32
      %mul3A_65 = arith.muli %scan3A_27, %mul3A_64 : i32
      %add3A_66 = arith.constant 2 : i32
      %add3A_67 = arith.addi %mul3A_65, %add3A_66 : i32
      %dma_wait3A_68 = arith.constant 0 : i32
      %dma_wait3A_69 = arith.constant 0 : i32
      %dma_wait3A_70 = tpu.memref_slice %arg2[%dma_wait3A_68, %dma_wait3A_69] : memref<16384x128xf32, #tpu.memory_space<hbm>> -> memref<128x128xf32, #tpu.memory_space<hbm>>
      %dma_wait3A_71 = arith.constant 0 : i32
      %dma_wait3A_72 = arith.constant 0 : i32
      %dma_wait3A_73 = tpu.memref_slice %arg2[%dma_wait3A_71, %dma_wait3A_72] : memref<16384x128xf32, #tpu.memory_space<hbm>> -> memref<128x128xf32, #tpu.memory_space<hbm>>
      tpu.wait_dma2 semaphore(%arg12 : memref<!tpu.dma_semaphore, #tpu.memory_space<semaphore_mem>>) src(%dma_wait3A_73 : memref<128x128xf32, #tpu.memory_space<hbm>>) dst(%arg8 : memref<128x128xf32, #tpu.memory_space<vmem>>)
      %mul3A_74 = arith.constant 128 : i32
      %mul3A_75 = arith.muli %add3A_67, %mul3A_74 : i32
      %add3A_76 = arith.addi %mul3A_2, %mul3A_75 : i32
      "tpu.region"() ({
        %run_scoped3A = tpu.sem_alloc : memref<!tpu.dma_semaphore, #tpu.memory_space<semaphore_mem>>
        %dma_start3A_104 = arith.constant 0 : i32
        %dma_start3A_105 = tpu.memref_slice %arg4[%add3A_76, %dma_start3A_104] : memref<262144x128xf32, #tpu.memory_space<hbm>> -> memref<128x128xf32, #tpu.memory_space<hbm>>
        %dma_start3A_106 = arith.constant 0 : i32
        %dma_start3A_107 = tpu.memref_slice %arg4[%add3A_76, %dma_start3A_106] : memref<262144x128xf32, #tpu.memory_space<hbm>> -> memref<128x128xf32, #tpu.memory_space<hbm>>
        tpu.enqueue_dma source(%arg8 : memref<128x128xf32, #tpu.memory_space<vmem>>) target(%dma_start3A_107 : memref<128x128xf32, #tpu.memory_space<hbm>>) target_semaphore(%run_scoped3A : memref<!tpu.dma_semaphore, #tpu.memory_space<semaphore_mem>>)
        %dma_wait3A_108 = arith.constant 0 : i32
        %dma_wait3A_109 = tpu.memref_slice %arg4[%add3A_76, %dma_wait3A_108] : memref<262144x128xf32, #tpu.memory_space<hbm>> -> memref<128x128xf32, #tpu.memory_space<hbm>>
        %dma_wait3A_110 = arith.constant 0 : i32
        %dma_wait3A_111 = tpu.memref_slice %arg4[%add3A_76, %dma_wait3A_110] : memref<262144x128xf32, #tpu.memory_space<hbm>> -> memref<128x128xf32, #tpu.memory_space<hbm>>
        tpu.wait_dma2 semaphore(%run_scoped3A : memref<!tpu.dma_semaphore, #tpu.memory_space<semaphore_mem>>) src(%arg8 : memref<128x128xf32, #tpu.memory_space<vmem>>) dst(%dma_wait3A_111 : memref<128x128xf32, #tpu.memory_space<hbm>>)
        tpu.yield
      }) : () -> ()
      %add3A_77 = arith.constant 4 : i32
      %add3A_78 = arith.addi %add3A_67, %add3A_77 : i32
      %lt3A_79 = arith.constant 64 : i32
      %lt3A_80 = arith.cmpi slt, %add3A_78, %lt3A_79 : i32
      %convert_element_type3A_81 = arith.extui %lt3A_80 : i1 to i32
      %cond3A_82 = arith.constant 0 : i32
      %cond3A_83 = arith.cmpi ne, %convert_element_type3A_81, %cond3A_82 : i32
      scf.if %cond3A_83 {
        %mul3A_104 = arith.constant 128 : i32
        %mul3A_105 = arith.muli %add3A_78, %mul3A_104 : i32
        %dma_start3A_106 = tpu.memref_slice %arg5[%mul3A_105] : memref<8192xi32, #tpu.memory_space<vmem>> -> memref<128xi32, #tpu.memory_space<vmem>>
        %dma_start3A_107 = arith.constant 0 : i32
        %dma_start3A_108 = arith.constant 0 : i32
        %dma_start3A_109 = tpu.memref_slice %arg2[%dma_start3A_107, %dma_start3A_108] : memref<16384x128xf32, #tpu.memory_space<hbm>> -> memref<16384x128xf32, #tpu.memory_space<hbm>>
        tpu.enqueue_indirect_dma source(%dma_start3A_109 : memref<16384x128xf32, #tpu.memory_space<hbm>>) target(%arg8 : memref<128x128xf32, #tpu.memory_space<vmem>>) offsets(%dma_start3A_106 : memref<128xi32, #tpu.memory_space<vmem>>) semaphore(%arg12 : memref<!tpu.dma_semaphore, #tpu.memory_space<semaphore_mem>>)
      } else {
      }
      %mul3A_84 = arith.constant 4 : i32
      %mul3A_85 = arith.muli %scan3A_27, %mul3A_84 : i32
      %add3A_86 = arith.constant 3 : i32
      %add3A_87 = arith.addi %mul3A_85, %add3A_86 : i32
      %dma_wait3A_88 = arith.constant 0 : i32
      %dma_wait3A_89 = arith.constant 0 : i32
      %dma_wait3A_90 = tpu.memref_slice %arg2[%dma_wait3A_88, %dma_wait3A_89] : memref<16384x128xf32, #tpu.memory_space<hbm>> -> memref<128x128xf32, #tpu.memory_space<hbm>>
      %dma_wait3A_91 = arith.constant 0 : i32
      %dma_wait3A_92 = arith.constant 0 : i32
      %dma_wait3A_93 = tpu.memref_slice %arg2[%dma_wait3A_91, %dma_wait3A_92] : memref<16384x128xf32, #tpu.memory_space<hbm>> -> memref<128x128xf32, #tpu.memory_space<hbm>>
      tpu.wait_dma2 semaphore(%arg13 : memref<!tpu.dma_semaphore, #tpu.memory_space<semaphore_mem>>) src(%dma_wait3A_93 : memref<128x128xf32, #tpu.memory_space<hbm>>) dst(%arg9 : memref<128x128xf32, #tpu.memory_space<vmem>>)
      %mul3A_94 = arith.constant 128 : i32
      %mul3A_95 = arith.muli %add3A_87, %mul3A_94 : i32
      %add3A_96 = arith.addi %mul3A_2, %mul3A_95 : i32
      "tpu.region"() ({
        %run_scoped3A = tpu.sem_alloc : memref<!tpu.dma_semaphore, #tpu.memory_space<semaphore_mem>>
        %dma_start3A_104 = arith.constant 0 : i32
        %dma_start3A_105 = tpu.memref_slice %arg4[%add3A_96, %dma_start3A_104] : memref<262144x128xf32, #tpu.memory_space<hbm>> -> memref<128x128xf32, #tpu.memory_space<hbm>>
        %dma_start3A_106 = arith.constant 0 : i32
        %dma_start3A_107 = tpu.memref_slice %arg4[%add3A_96, %dma_start3A_106] : memref<262144x128xf32, #tpu.memory_space<hbm>> -> memref<128x128xf32, #tpu.memory_space<hbm>>
        tpu.enqueue_dma source(%arg9 : memref<128x128xf32, #tpu.memory_space<vmem>>) target(%dma_start3A_107 : memref<128x128xf32, #tpu.memory_space<hbm>>) target_semaphore(%run_scoped3A : memref<!tpu.dma_semaphore, #tpu.memory_space<semaphore_mem>>)
        %dma_wait3A_108 = arith.constant 0 : i32
        %dma_wait3A_109 = tpu.memref_slice %arg4[%add3A_96, %dma_wait3A_108] : memref<262144x128xf32, #tpu.memory_space<hbm>> -> memref<128x128xf32, #tpu.memory_space<hbm>>
        %dma_wait3A_110 = arith.constant 0 : i32
        %dma_wait3A_111 = tpu.memref_slice %arg4[%add3A_96, %dma_wait3A_110] : memref<262144x128xf32, #tpu.memory_space<hbm>> -> memref<128x128xf32, #tpu.memory_space<hbm>>
        tpu.wait_dma2 semaphore(%run_scoped3A : memref<!tpu.dma_semaphore, #tpu.memory_space<semaphore_mem>>) src(%arg9 : memref<128x128xf32, #tpu.memory_space<vmem>>) dst(%dma_wait3A_111 : memref<128x128xf32, #tpu.memory_space<hbm>>)
        tpu.yield
      }) : () -> ()
      %add3A_97 = arith.constant 4 : i32
      %add3A_98 = arith.addi %add3A_87, %add3A_97 : i32
      %lt3A_99 = arith.constant 64 : i32
      %lt3A_100 = arith.cmpi slt, %add3A_98, %lt3A_99 : i32
      %convert_element_type3A_101 = arith.extui %lt3A_100 : i1 to i32
      %cond3A_102 = arith.constant 0 : i32
      %cond3A_103 = arith.cmpi ne, %convert_element_type3A_101, %cond3A_102 : i32
      scf.if %cond3A_103 {
        %mul3A_104 = arith.constant 128 : i32
        %mul3A_105 = arith.muli %add3A_98, %mul3A_104 : i32
        %dma_start3A_106 = tpu.memref_slice %arg5[%mul3A_105] : memref<8192xi32, #tpu.memory_space<vmem>> -> memref<128xi32, #tpu.memory_space<vmem>>
        %dma_start3A_107 = arith.constant 0 : i32
        %dma_start3A_108 = arith.constant 0 : i32
        %dma_start3A_109 = tpu.memref_slice %arg2[%dma_start3A_107, %dma_start3A_108] : memref<16384x128xf32, #tpu.memory_space<hbm>> -> memref<16384x128xf32, #tpu.memory_space<hbm>>
        tpu.enqueue_indirect_dma source(%dma_start3A_109 : memref<16384x128xf32, #tpu.memory_space<hbm>>) target(%arg9 : memref<128x128xf32, #tpu.memory_space<vmem>>) offsets(%dma_start3A_106 : memref<128xi32, #tpu.memory_space<vmem>>) semaphore(%arg13 : memref<!tpu.dma_semaphore, #tpu.memory_space<semaphore_mem>>)
      } else {
      }
    }
    %scan3A_26 = arith.constant 16 : i32
    return
  }
}

module attributes {stable_mosaic.version = 14 : i64} {
  func.func @_proj_knn_body(%arg0: i32, %arg1: i32, %arg2: memref<1x8x4096xf32, #tpu.memory_space<vmem>>, %arg3: memref<256x8xf32, #tpu.memory_space<vmem>>, %arg4: memref<256x64xf32, #tpu.memory_space<vmem>>, %arg5: memref<64x64xf32, #tpu.memory_space<vmem>>, %arg6: memref<64x64xf32, #tpu.memory_space<vmem>>, %arg7: memref<8x64xf32, #tpu.memory_space<vmem>>, %arg8: memref<8x64xf32, #tpu.memory_space<vmem>>, %arg9: memref<256x64xf32, #tpu.memory_space<vmem>>, %arg10: memref<256x128xf32, #tpu.memory_space<vmem>>, %arg11: memref<256x64xf32, #tpu.memory_space<vmem>>, %arg12: memref<256x16xi32, #tpu.memory_space<vmem>>) attributes {dimension_semantics = [#tpu.dimension_semantics<arbitrary>, #tpu.dimension_semantics<arbitrary>], iteration_bounds = array<i64: 4, 16>, scalar_prefetch = 0 : i64, scratch_operands = 0 : i64, tpu.core_type = #tpu.core_type<tc>, window_params = [{transform_indices = @transform_0, window_bounds = array<i64: 1, 8, 4096>}, {transform_indices = @transform_1, window_bounds = array<i64: 256, 8>}, {transform_indices = @transform_2, window_bounds = array<i64: 256, 64>}, {pipeline_mode = #tpu.pipeline_mode<synchronous>, transform_indices = @transform_3, window_bounds = array<i64: 64, 64>}, {pipeline_mode = #tpu.pipeline_mode<synchronous>, transform_indices = @transform_4, window_bounds = array<i64: 64, 64>}, {pipeline_mode = #tpu.pipeline_mode<synchronous>, transform_indices = @transform_5, window_bounds = array<i64: 8, 64>}, {pipeline_mode = #tpu.pipeline_mode<synchronous>, transform_indices = @transform_6, window_bounds = array<i64: 8, 64>}, {transform_indices = @transform_7, window_bounds = array<i64: 256, 64>}, {transform_indices = @transform_8, window_bounds = array<i64: 256, 128>}, {transform_indices = @transform_9, window_bounds = array<i64: 256, 64>}, {transform_indices = @transform_10, window_bounds = array<i64: 256, 16>}]} {
    %get3A = arith.constant 0 : index
    %get3A_0 = arith.constant 0 : index
    %get3A_1 = arith.constant 0 : index
    %get3A_2 = vector.load %arg2[%get3A, %get3A_0, %get3A_1] : memref<1x8x4096xf32, #tpu.memory_space<vmem>>, vector<1x8x4096xf32>
    %get3A_3 = vector.shape_cast %get3A_2 : vector<1x8x4096xf32> to vector<8x4096xf32>
    %get3A_4 = arith.constant 0 : index
    %get3A_5 = arith.constant 0 : index
    %get3A_6 = vector.load %arg3[%get3A_4, %get3A_5] : memref<256x8xf32, #tpu.memory_space<vmem>>, vector<256x8xf32>
    %get3A_7 = arith.constant 0 : index
    %get3A_8 = arith.constant 0 : index
    %get3A_9 = vector.load %arg4[%get3A_7, %get3A_8] : memref<256x64xf32, #tpu.memory_space<vmem>>, vector<256x64xf32>
    %get3A_10 = arith.constant 0 : index
    %get3A_11 = arith.constant 0 : index
    %get3A_12 = vector.load %arg5[%get3A_10, %get3A_11] : memref<64x64xf32, #tpu.memory_space<vmem>>, vector<64x64xf32>
    %dot_general3A = arith.constant dense<0.000000e+00> : vector<256x64xf32>
    %dot_general3A_13 = tpu.matmul %get3A_9, %get3A_12, %dot_general3A {dimension_numbers = #tpu.dot_dimension_numbers<[1], [0], [0], [1], [0, 0, 1, 1], [], []>, transpose_lhs_hint = false} : vector<256x64xf32>, vector<64x64xf32>, vector<256x64xf32> -> vector<256x64xf32>
    %get3A_14 = arith.constant 0 : index
    %get3A_15 = arith.constant 0 : index
    %get3A_16 = vector.load %arg8[%get3A_14, %get3A_15] : memref<8x64xf32, #tpu.memory_space<vmem>>, vector<1x64xf32>
    %add3A = vector.broadcast %get3A_16 : vector<1x64xf32> to vector<256x64xf32>
    %add3A_17 = arith.addf %dot_general3A_13, %add3A : vector<256x64xf32>
    %get3A_18 = arith.constant 0 : index
    %get3A_19 = arith.constant 0 : index
    %get3A_20 = vector.load %arg6[%get3A_18, %get3A_19] : memref<64x64xf32, #tpu.memory_space<vmem>>, vector<64x64xf32>
    %dot_general3A_21 = arith.constant dense<0.000000e+00> : vector<256x64xf32>
    %dot_general3A_22 = tpu.matmul %add3A_17, %get3A_20, %dot_general3A_21 {dimension_numbers = #tpu.dot_dimension_numbers<[1], [0], [0], [1], [0, 0, 1, 1], [], []>, transpose_lhs_hint = false} : vector<256x64xf32>, vector<64x64xf32>, vector<256x64xf32> -> vector<256x64xf32>
    %get3A_23 = arith.constant 1 : index
    %get3A_24 = arith.constant 0 : index
    %get3A_25 = vector.load %arg8[%get3A_23, %get3A_24] : memref<8x64xf32, #tpu.memory_space<vmem>>, vector<1x64xf32>
    %add3A_26 = vector.broadcast %get3A_25 : vector<1x64xf32> to vector<256x64xf32>
    %add3A_27 = arith.addf %dot_general3A_22, %add3A_26 : vector<256x64xf32>
    %get3A_28 = arith.constant 0 : index
    %get3A_29 = arith.constant 0 : index
    %get3A_30 = vector.load %arg7[%get3A_28, %get3A_29] : memref<8x64xf32, #tpu.memory_space<vmem>>, vector<8x64xf32>
    %dot_general3A_31 = arith.constant dense<0.000000e+00> : vector<256x64xf32>
    %dot_general3A_32 = tpu.matmul %get3A_6, %get3A_30, %dot_general3A_31 {dimension_numbers = #tpu.dot_dimension_numbers<[1], [0], [0], [1], [0, 0, 1, 1], [], []>, transpose_lhs_hint = false} : vector<256x8xf32>, vector<8x64xf32>, vector<256x64xf32> -> vector<256x64xf32>
    %get3A_33 = arith.constant 2 : index
    %get3A_34 = arith.constant 0 : index
    %get3A_35 = vector.load %arg8[%get3A_33, %get3A_34] : memref<8x64xf32, #tpu.memory_space<vmem>>, vector<1x64xf32>
    %add3A_36 = vector.broadcast %get3A_35 : vector<1x64xf32> to vector<256x64xf32>
    %add3A_37 = arith.addf %dot_general3A_32, %add3A_36 : vector<256x64xf32>
    %swap3A = arith.constant 0 : index
    %swap3A_38 = arith.constant 0 : index
    %swap3A_39 = vector.load %arg9[%swap3A, %swap3A_38] : memref<256x64xf32, #tpu.memory_space<vmem>>, vector<256x64xf32>
    tpu.vector_store %arg9[%swap3A, %swap3A_38], %add3A_17 {strides = array<i32>} : memref<256x64xf32, #tpu.memory_space<vmem>>, vector<256x64xf32>,
    %jit3A = arith.constant 0 : i32
    %convert_element_type3A = arith.sitofp %jit3A : i32 to f32
    %pad3A = vector.broadcast %convert_element_type3A : f32 to vector<256x56xf32>
    %pad3A_40 = tpu.concatenate %get3A_6, %pad3A in 1 : vector<256x8xf32>, vector<256x56xf32> -> vector<256x64xf32>
    %concatenate3A = tpu.concatenate %add3A_27, %pad3A_40 in 1 : vector<256x64xf32>, vector<256x64xf32> -> vector<256x128xf32>
    %swap3A_41 = arith.constant 0 : index
    %swap3A_42 = arith.constant 0 : index
    %swap3A_43 = vector.load %arg10[%swap3A_41, %swap3A_42] : memref<256x128xf32, #tpu.memory_space<vmem>>, vector<256x128xf32>
    tpu.vector_store %arg10[%swap3A_41, %swap3A_42], %concatenate3A {strides = array<i32>} : memref<256x128xf32, #tpu.memory_space<vmem>>, vector<256x128xf32>,
    %swap3A_44 = arith.constant 0 : index
    %swap3A_45 = arith.constant 0 : index
    %swap3A_46 = vector.load %arg11[%swap3A_44, %swap3A_45] : memref<256x64xf32, #tpu.memory_space<vmem>>, vector<256x64xf32>
    tpu.vector_store %arg11[%swap3A_44, %swap3A_45], %add3A_37 {strides = array<i32>} : memref<256x64xf32, #tpu.memory_space<vmem>>, vector<256x64xf32>,
    %mul3A = arith.mulf %get3A_3, %get3A_3 : vector<8x4096xf32>
    %reduce_sum3A = arith.constant dense<0.000000e+00> : vector<4096xf32>
    %reduce_sum3A_47 = vector.multi_reduction <add>, %mul3A, %reduce_sum3A [0] : vector<8x4096xf32> to vector<4096xf32>
    %broadcast_in_dim3A = vector.shape_cast %reduce_sum3A_47 : vector<4096xf32> to vector<1x4096xf32>
    %mul3A_48 = arith.mulf %get3A_6, %get3A_6 : vector<256x8xf32>
    %reduce_sum3A_49 = arith.constant dense<0.000000e+00> : vector<256xf32>
    %reduce_sum3A_50 = vector.multi_reduction <add>, %mul3A_48, %reduce_sum3A_49 [1] : vector<256x8xf32> to vector<256xf32>
    %broadcast_in_dim3A_51 = vector.shape_cast %reduce_sum3A_50 : vector<256xf32> to vector<256x1xf32>
    %add3A_52 = vector.broadcast %broadcast_in_dim3A_51 : vector<256x1xf32> to vector<256x4096xf32>
    %add3A_53 = vector.broadcast %broadcast_in_dim3A : vector<1x4096xf32> to vector<256x4096xf32>
    %add3A_54 = arith.addf %add3A_52, %add3A_53 : vector<256x4096xf32>
    %dot_general3A_55 = arith.constant dense<0.000000e+00> : vector<256x4096xf32>
    %dot_general3A_56 = tpu.matmul %get3A_6, %get3A_3, %dot_general3A_55 {dimension_numbers = #tpu.dot_dimension_numbers<[1], [0], [0], [1], [0, 0, 1, 1], [], []>, transpose_lhs_hint = false} : vector<256x8xf32>, vector<8x4096xf32>, vector<256x4096xf32> -> vector<256x4096xf32>
    %mul3A_57 = arith.constant 2.000000e+00 : f32
    %mul3A_58 = vector.broadcast %mul3A_57 : f32 to vector<256x4096xf32>
    %mul3A_59 = arith.mulf %mul3A_58, %dot_general3A_56 : vector<256x4096xf32>
    %sub3A = arith.subf %add3A_54, %mul3A_59 : vector<256x4096xf32>
    %iota3A = tpu.iota {dimensions = array<i32: 1>} : vector<256x4096xi32>
    %iota3A_60 = tpu.iota {dimensions = array<i32: 1>} : vector<256x16xi32>
    %broadcast_in_dim3A_61 = arith.constant 0 : i32
    %broadcast_in_dim3A_62 = vector.broadcast %broadcast_in_dim3A_61 : i32 to vector<256x16xi32>
    %reduce_min3A = arith.constant dense<0x7F800000> : vector<256xf32>
    %reduce_min3A_63 = vector.multi_reduction <minimumf>, %sub3A, %reduce_min3A [1] : vector<256x4096xf32> to vector<256xf32>
    %broadcast_in_dim3A_64 = vector.shape_cast %reduce_min3A_63 : vector<256xf32> to vector<256x1xf32>
    %eq3A = vector.broadcast %broadcast_in_dim3A_64 : vector<256x1xf32> to vector<256x4096xf32>
    %eq3A_65 = arith.cmpf oeq, %sub3A, %eq3A : vector<256x4096xf32>
    %jit3A_66 = arith.constant 4096 : i32
    %broadcast_in_dim3A_67 = vector.broadcast %jit3A_66 : i32 to vector<256x4096xi32>
    %select_n3A = arith.select %eq3A_65, %iota3A, %broadcast_in_dim3A_67 : vector<256x4096xi1>, vector<256x4096xi32>
    %reduce_min3A_68 = arith.constant dense<2147483647> : vector<256xi32>
    %reduce_min3A_69 = vector.multi_reduction <minsi>, %select_n3A, %reduce_min3A_68 [1] : vector<256x4096xi32> to vector<256xi32>
    %broadcast_in_dim3A_70 = vector.shape_cast %reduce_min3A_69 : vector<256xi32> to vector<256x1xi32>
    %eq3A_71 = arith.constant 0 : i32
    %eq3A_72 = vector.broadcast %eq3A_71 : i32 to vector<256x16xi32>
    %eq3A_73 = arith.cmpi eq, %iota3A_60, %eq3A_72 : vector<256x16xi32>
    %broadcast_in_dim3A_74 = vector.shape_cast %broadcast_in_dim3A_70 : vector<256x1xi32> to vector<256x1xi32>
    %broadcast_in_dim3A_75 = vector.broadcast %broadcast_in_dim3A_74 : vector<256x1xi32> to vector<256x16xi32>
    %select_n3A_76 = arith.select %eq3A_73, %broadcast_in_dim3A_75, %broadcast_in_dim3A_62 : vector<256x16xi1>, vector<256x16xi32>
    %jit3A_77 = arith.constant 0x7F800000 : f32
    %broadcast_in_dim3A_78 = vector.broadcast %jit3A_77 : f32 to vector<256x4096xf32>
    %select_n3A_79 = arith.select %eq3A_65, %broadcast_in_dim3A_78, %sub3A : vector<256x4096xi1>, vector<256x4096xf32>
    %reduce_min3A_80 = arith.constant dense<0x7F800000> : vector<256xf32>
    %reduce_min3A_81 = vector.multi_reduction <minimumf>, %select_n3A_79, %reduce_min3A_80 [1] : vector<256x4096xf32> to vector<256xf32>
    %broadcast_in_dim3A_82 = vector.shape_cast %reduce_min3A_81 : vector<256xf32> to vector<256x1xf32>
    %eq3A_83 = vector.broadcast %broadcast_in_dim3A_82 : vector<256x1xf32> to vector<256x4096xf32>
    %eq3A_84 = arith.cmpf oeq, %select_n3A_79, %eq3A_83 : vector<256x4096xf32>
    %jit3A_85 = arith.constant 4096 : i32
    %broadcast_in_dim3A_86 = vector.broadcast %jit3A_85 : i32 to vector<256x4096xi32>
    %select_n3A_87 = arith.select %eq3A_84, %iota3A, %broadcast_in_dim3A_86 : vector<256x4096xi1>, vector<256x4096xi32>
    %reduce_min3A_88 = arith.constant dense<2147483647> : vector<256xi32>
    %reduce_min3A_89 = vector.multi_reduction <minsi>, %select_n3A_87, %reduce_min3A_88 [1] : vector<256x4096xi32> to vector<256xi32>
    %broadcast_in_dim3A_90 = vector.shape_cast %reduce_min3A_89 : vector<256xi32> to vector<256x1xi32>
    %eq3A_91 = arith.constant 1 : i32
    %eq3A_92 = vector.broadcast %eq3A_91 : i32 to vector<256x16xi32>
    %eq3A_93 = arith.cmpi eq, %iota3A_60, %eq3A_92 : vector<256x16xi32>
    %broadcast_in_dim3A_94 = vector.shape_cast %broadcast_in_dim3A_90 : vector<256x1xi32> to vector<256x1xi32>
    %broadcast_in_dim3A_95 = vector.broadcast %broadcast_in_dim3A_94 : vector<256x1xi32> to vector<256x16xi32>
    %select_n3A_96 = arith.select %eq3A_93, %broadcast_in_dim3A_95, %select_n3A_76 : vector<256x16xi1>, vector<256x16xi32>
    %jit3A_97 = arith.constant 0x7F800000 : f32
    %broadcast_in_dim3A_98 = vector.broadcast %jit3A_97 : f32 to vector<256x4096xf32>
    %select_n3A_99 = arith.select %eq3A_84, %broadcast_in_dim3A_98, %select_n3A_79 : vector<256x4096xi1>, vector<256x4096xf32>
    %reduce_min3A_100 = arith.constant dense<0x7F800000> : vector<256xf32>
    %reduce_min3A_101 = vector.multi_reduction <minimumf>, %select_n3A_99, %reduce_min3A_100 [1] : vector<256x4096xf32> to vector<256xf32>
    %broadcast_in_dim3A_102 = vector.shape_cast %reduce_min3A_101 : vector<256xf32> to vector<256x1xf32>
    %eq3A_103 = vector.broadcast %broadcast_in_dim3A_102 : vector<256x1xf32> to vector<256x4096xf32>
    %eq3A_104 = arith.cmpf oeq, %select_n3A_99, %eq3A_103 : vector<256x4096xf32>
    %jit3A_105 = arith.constant 4096 : i32
    %broadcast_in_dim3A_106 = vector.broadcast %jit3A_105 : i32 to vector<256x4096xi32>
    %select_n3A_107 = arith.select %eq3A_104, %iota3A, %broadcast_in_dim3A_106 : vector<256x4096xi1>, vector<256x4096xi32>
    %reduce_min3A_108 = arith.constant dense<2147483647> : vector<256xi32>
    %reduce_min3A_109 = vector.multi_reduction <minsi>, %select_n3A_107, %reduce_min3A_108 [1] : vector<256x4096xi32> to vector<256xi32>
    %broadcast_in_dim3A_110 = vector.shape_cast %reduce_min3A_109 : vector<256xi32> to vector<256x1xi32>
    %eq3A_111 = arith.constant 2 : i32
    %eq3A_112 = vector.broadcast %eq3A_111 : i32 to vector<256x16xi32>
    %eq3A_113 = arith.cmpi eq, %iota3A_60, %eq3A_112 : vector<256x16xi32>
    %broadcast_in_dim3A_114 = vector.shape_cast %broadcast_in_dim3A_110 : vector<256x1xi32> to vector<256x1xi32>
    %broadcast_in_dim3A_115 = vector.broadcast %broadcast_in_dim3A_114 : vector<256x1xi32> to vector<256x16xi32>
    %select_n3A_116 = arith.select %eq3A_113, %broadcast_in_dim3A_115, %select_n3A_96 : vector<256x16xi1>, vector<256x16xi32>
    %jit3A_117 = arith.constant 0x7F800000 : f32
    %broadcast_in_dim3A_118 = vector.broadcast %jit3A_117 : f32 to vector<256x4096xf32>
    %select_n3A_119 = arith.select %eq3A_104, %broadcast_in_dim3A_118, %select_n3A_99 : vector<256x4096xi1>, vector<256x4096xf32>
    %reduce_min3A_120 = arith.constant dense<0x7F800000> : vector<256xf32>
    %reduce_min3A_121 = vector.multi_reduction <minimumf>, %select_n3A_119, %reduce_min3A_120 [1] : vector<256x4096xf32> to vector<256xf32>
    %broadcast_in_dim3A_122 = vector.shape_cast %reduce_min3A_121 : vector<256xf32> to vector<256x1xf32>
    %eq3A_123 = vector.broadcast %broadcast_in_dim3A_122 : vector<256x1xf32> to vector<256x4096xf32>
    %eq3A_124 = arith.cmpf oeq, %select_n3A_119, %eq3A_123 : vector<256x4096xf32>
    %jit3A_125 = arith.constant 4096 : i32
    %broadcast_in_dim3A_126 = vector.broadcast %jit3A_125 : i32 to vector<256x4096xi32>
    %select_n3A_127 = arith.select %eq3A_124, %iota3A, %broadcast_in_dim3A_126 : vector<256x4096xi1>, vector<256x4096xi32>
    %reduce_min3A_128 = arith.constant dense<2147483647> : vector<256xi32>
    %reduce_min3A_129 = vector.multi_reduction <minsi>, %select_n3A_127, %reduce_min3A_128 [1] : vector<256x4096xi32> to vector<256xi32>
    %broadcast_in_dim3A_130 = vector.shape_cast %reduce_min3A_129 : vector<256xi32> to vector<256x1xi32>
    %eq3A_131 = arith.constant 3 : i32
    %eq3A_132 = vector.broadcast %eq3A_131 : i32 to vector<256x16xi32>
    %eq3A_133 = arith.cmpi eq, %iota3A_60, %eq3A_132 : vector<256x16xi32>
    %broadcast_in_dim3A_134 = vector.shape_cast %broadcast_in_dim3A_130 : vector<256x1xi32> to vector<256x1xi32>
    %broadcast_in_dim3A_135 = vector.broadcast %broadcast_in_dim3A_134 : vector<256x1xi32> to vector<256x16xi32>
    %select_n3A_136 = arith.select %eq3A_133, %broadcast_in_dim3A_135, %select_n3A_116 : vector<256x16xi1>, vector<256x16xi32>
    %jit3A_137 = arith.constant 0x7F800000 : f32
    %broadcast_in_dim3A_138 = vector.broadcast %jit3A_137 : f32 to vector<256x4096xf32>
    %select_n3A_139 = arith.select %eq3A_124, %broadcast_in_dim3A_138, %select_n3A_119 : vector<256x4096xi1>, vector<256x4096xf32>
    %reduce_min3A_140 = arith.constant dense<0x7F800000> : vector<256xf32>
    %reduce_min3A_141 = vector.multi_reduction <minimumf>, %select_n3A_139, %reduce_min3A_140 [1] : vector<256x4096xf32> to vector<256xf32>
    %broadcast_in_dim3A_142 = vector.shape_cast %reduce_min3A_141 : vector<256xf32> to vector<256x1xf32>
    %eq3A_143 = vector.broadcast %broadcast_in_dim3A_142 : vector<256x1xf32> to vector<256x4096xf32>
    %eq3A_144 = arith.cmpf oeq, %select_n3A_139, %eq3A_143 : vector<256x4096xf32>
    %jit3A_145 = arith.constant 4096 : i32
    %broadcast_in_dim3A_146 = vector.broadcast %jit3A_145 : i32 to vector<256x4096xi32>
    %select_n3A_147 = arith.select %eq3A_144, %iota3A, %broadcast_in_dim3A_146 : vector<256x4096xi1>, vector<256x4096xi32>
    %reduce_min3A_148 = arith.constant dense<2147483647> : vector<256xi32>
    %reduce_min3A_149 = vector.multi_reduction <minsi>, %select_n3A_147, %reduce_min3A_148 [1] : vector<256x4096xi32> to vector<256xi32>
    %broadcast_in_dim3A_150 = vector.shape_cast %reduce_min3A_149 : vector<256xi32> to vector<256x1xi32>
    %eq3A_151 = arith.constant 4 : i32
    %eq3A_152 = vector.broadcast %eq3A_151 : i32 to vector<256x16xi32>
    %eq3A_153 = arith.cmpi eq, %iota3A_60, %eq3A_152 : vector<256x16xi32>
    %broadcast_in_dim3A_154 = vector.shape_cast %broadcast_in_dim3A_150 : vector<256x1xi32> to vector<256x1xi32>
    %broadcast_in_dim3A_155 = vector.broadcast %broadcast_in_dim3A_154 : vector<256x1xi32> to vector<256x16xi32>
    %select_n3A_156 = arith.select %eq3A_153, %broadcast_in_dim3A_155, %select_n3A_136 : vector<256x16xi1>, vector<256x16xi32>
    %jit3A_157 = arith.constant 0x7F800000 : f32
    %broadcast_in_dim3A_158 = vector.broadcast %jit3A_157 : f32 to vector<256x4096xf32>
    %select_n3A_159 = arith.select %eq3A_144, %broadcast_in_dim3A_158, %select_n3A_139 : vector<256x4096xi1>, vector<256x4096xf32>
    %reduce_min3A_160 = arith.constant dense<0x7F800000> : vector<256xf32>
    %reduce_min3A_161 = vector.multi_reduction <minimumf>, %select_n3A_159, %reduce_min3A_160 [1] : vector<256x4096xf32> to vector<256xf32>
    %broadcast_in_dim3A_162 = vector.shape_cast %reduce_min3A_161 : vector<256xf32> to vector<256x1xf32>
    %eq3A_163 = vector.broadcast %broadcast_in_dim3A_162 : vector<256x1xf32> to vector<256x4096xf32>
    %eq3A_164 = arith.cmpf oeq, %select_n3A_159, %eq3A_163 : vector<256x4096xf32>
    %jit3A_165 = arith.constant 4096 : i32
    %broadcast_in_dim3A_166 = vector.broadcast %jit3A_165 : i32 to vector<256x4096xi32>
    %select_n3A_167 = arith.select %eq3A_164, %iota3A, %broadcast_in_dim3A_166 : vector<256x4096xi1>, vector<256x4096xi32>
    %reduce_min3A_168 = arith.constant dense<2147483647> : vector<256xi32>
    %reduce_min3A_169 = vector.multi_reduction <minsi>, %select_n3A_167, %reduce_min3A_168 [1] : vector<256x4096xi32> to vector<256xi32>
    %broadcast_in_dim3A_170 = vector.shape_cast %reduce_min3A_169 : vector<256xi32> to vector<256x1xi32>
    %eq3A_171 = arith.constant 5 : i32
    %eq3A_172 = vector.broadcast %eq3A_171 : i32 to vector<256x16xi32>
    %eq3A_173 = arith.cmpi eq, %iota3A_60, %eq3A_172 : vector<256x16xi32>
    %broadcast_in_dim3A_174 = vector.shape_cast %broadcast_in_dim3A_170 : vector<256x1xi32> to vector<256x1xi32>
    %broadcast_in_dim3A_175 = vector.broadcast %broadcast_in_dim3A_174 : vector<256x1xi32> to vector<256x16xi32>
    %select_n3A_176 = arith.select %eq3A_173, %broadcast_in_dim3A_175, %select_n3A_156 : vector<256x16xi1>, vector<256x16xi32>
    %jit3A_177 = arith.constant 0x7F800000 : f32
    %broadcast_in_dim3A_178 = vector.broadcast %jit3A_177 : f32 to vector<256x4096xf32>
    %select_n3A_179 = arith.select %eq3A_164, %broadcast_in_dim3A_178, %select_n3A_159 : vector<256x4096xi1>, vector<256x4096xf32>
    %reduce_min3A_180 = arith.constant dense<0x7F800000> : vector<256xf32>
    %reduce_min3A_181 = vector.multi_reduction <minimumf>, %select_n3A_179, %reduce_min3A_180 [1] : vector<256x4096xf32> to vector<256xf32>
    %broadcast_in_dim3A_182 = vector.shape_cast %reduce_min3A_181 : vector<256xf32> to vector<256x1xf32>
    %eq3A_183 = vector.broadcast %broadcast_in_dim3A_182 : vector<256x1xf32> to vector<256x4096xf32>
    %eq3A_184 = arith.cmpf oeq, %select_n3A_179, %eq3A_183 : vector<256x4096xf32>
    %jit3A_185 = arith.constant 4096 : i32
    %broadcast_in_dim3A_186 = vector.broadcast %jit3A_185 : i32 to vector<256x4096xi32>
    %select_n3A_187 = arith.select %eq3A_184, %iota3A, %broadcast_in_dim3A_186 : vector<256x4096xi1>, vector<256x4096xi32>
    %reduce_min3A_188 = arith.constant dense<2147483647> : vector<256xi32>
    %reduce_min3A_189 = vector.multi_reduction <minsi>, %select_n3A_187, %reduce_min3A_188 [1] : vector<256x4096xi32> to vector<256xi32>
    %broadcast_in_dim3A_190 = vector.shape_cast %reduce_min3A_189 : vector<256xi32> to vector<256x1xi32>
    %eq3A_191 = arith.constant 6 : i32
    %eq3A_192 = vector.broadcast %eq3A_191 : i32 to vector<256x16xi32>
    %eq3A_193 = arith.cmpi eq, %iota3A_60, %eq3A_192 : vector<256x16xi32>
    %broadcast_in_dim3A_194 = vector.shape_cast %broadcast_in_dim3A_190 : vector<256x1xi32> to vector<256x1xi32>
    %broadcast_in_dim3A_195 = vector.broadcast %broadcast_in_dim3A_194 : vector<256x1xi32> to vector<256x16xi32>
    %select_n3A_196 = arith.select %eq3A_193, %broadcast_in_dim3A_195, %select_n3A_176 : vector<256x16xi1>, vector<256x16xi32>
    %jit3A_197 = arith.constant 0x7F800000 : f32
    %broadcast_in_dim3A_198 = vector.broadcast %jit3A_197 : f32 to vector<256x4096xf32>
    %select_n3A_199 = arith.select %eq3A_184, %broadcast_in_dim3A_198, %select_n3A_179 : vector<256x4096xi1>, vector<256x4096xf32>
    %reduce_min3A_200 = arith.constant dense<0x7F800000> : vector<256xf32>
    %reduce_min3A_201 = vector.multi_reduction <minimumf>, %select_n3A_199, %reduce_min3A_200 [1] : vector<256x4096xf32> to vector<256xf32>
    %broadcast_in_dim3A_202 = vector.shape_cast %reduce_min3A_201 : vector<256xf32> to vector<256x1xf32>
    %eq3A_203 = vector.broadcast %broadcast_in_dim3A_202 : vector<256x1xf32> to vector<256x4096xf32>
    %eq3A_204 = arith.cmpf oeq, %select_n3A_199, %eq3A_203 : vector<256x4096xf32>
    %jit3A_205 = arith.constant 4096 : i32
    %broadcast_in_dim3A_206 = vector.broadcast %jit3A_205 : i32 to vector<256x4096xi32>
    %select_n3A_207 = arith.select %eq3A_204, %iota3A, %broadcast_in_dim3A_206 : vector<256x4096xi1>, vector<256x4096xi32>
    %reduce_min3A_208 = arith.constant dense<2147483647> : vector<256xi32>
    %reduce_min3A_209 = vector.multi_reduction <minsi>, %select_n3A_207, %reduce_min3A_208 [1] : vector<256x4096xi32> to vector<256xi32>
    %broadcast_in_dim3A_210 = vector.shape_cast %reduce_min3A_209 : vector<256xi32> to vector<256x1xi32>
    %eq3A_211 = arith.constant 7 : i32
    %eq3A_212 = vector.broadcast %eq3A_211 : i32 to vector<256x16xi32>
    %eq3A_213 = arith.cmpi eq, %iota3A_60, %eq3A_212 : vector<256x16xi32>
    %broadcast_in_dim3A_214 = vector.shape_cast %broadcast_in_dim3A_210 : vector<256x1xi32> to vector<256x1xi32>
    %broadcast_in_dim3A_215 = vector.broadcast %broadcast_in_dim3A_214 : vector<256x1xi32> to vector<256x16xi32>
    %select_n3A_216 = arith.select %eq3A_213, %broadcast_in_dim3A_215, %select_n3A_196 : vector<256x16xi1>, vector<256x16xi32>
    %jit3A_217 = arith.constant 0x7F800000 : f32
    %broadcast_in_dim3A_218 = vector.broadcast %jit3A_217 : f32 to vector<256x4096xf32>
    %select_n3A_219 = arith.select %eq3A_204, %broadcast_in_dim3A_218, %select_n3A_199 : vector<256x4096xi1>, vector<256x4096xf32>
    %reduce_min3A_220 = arith.constant dense<0x7F800000> : vector<256xf32>
    %reduce_min3A_221 = vector.multi_reduction <minimumf>, %select_n3A_219, %reduce_min3A_220 [1] : vector<256x4096xf32> to vector<256xf32>
    %broadcast_in_dim3A_222 = vector.shape_cast %reduce_min3A_221 : vector<256xf32> to vector<256x1xf32>
    %eq3A_223 = vector.broadcast %broadcast_in_dim3A_222 : vector<256x1xf32> to vector<256x4096xf32>
    %eq3A_224 = arith.cmpf oeq, %select_n3A_219, %eq3A_223 : vector<256x4096xf32>
    %jit3A_225 = arith.constant 4096 : i32
    %broadcast_in_dim3A_226 = vector.broadcast %jit3A_225 : i32 to vector<256x4096xi32>
    %select_n3A_227 = arith.select %eq3A_224, %iota3A, %broadcast_in_dim3A_226 : vector<256x4096xi1>, vector<256x4096xi32>
    %reduce_min3A_228 = arith.constant dense<2147483647> : vector<256xi32>
    %reduce_min3A_229 = vector.multi_reduction <minsi>, %select_n3A_227, %reduce_min3A_228 [1] : vector<256x4096xi32> to vector<256xi32>
    %broadcast_in_dim3A_230 = vector.shape_cast %reduce_min3A_229 : vector<256xi32> to vector<256x1xi32>
    %eq3A_231 = arith.constant 8 : i32
    %eq3A_232 = vector.broadcast %eq3A_231 : i32 to vector<256x16xi32>
    %eq3A_233 = arith.cmpi eq, %iota3A_60, %eq3A_232 : vector<256x16xi32>
    %broadcast_in_dim3A_234 = vector.shape_cast %broadcast_in_dim3A_230 : vector<256x1xi32> to vector<256x1xi32>
    %broadcast_in_dim3A_235 = vector.broadcast %broadcast_in_dim3A_234 : vector<256x1xi32> to vector<256x16xi32>
    %select_n3A_236 = arith.select %eq3A_233, %broadcast_in_dim3A_235, %select_n3A_216 : vector<256x16xi1>, vector<256x16xi32>
    %jit3A_237 = arith.constant 0x7F800000 : f32
    %broadcast_in_dim3A_238 = vector.broadcast %jit3A_237 : f32 to vector<256x4096xf32>
    %select_n3A_239 = arith.select %eq3A_224, %broadcast_in_dim3A_238, %select_n3A_219 : vector<256x4096xi1>, vector<256x4096xf32>
    %reduce_min3A_240 = arith.constant dense<0x7F800000> : vector<256xf32>
    %reduce_min3A_241 = vector.multi_reduction <minimumf>, %select_n3A_239, %reduce_min3A_240 [1] : vector<256x4096xf32> to vector<256xf32>
    %broadcast_in_dim3A_242 = vector.shape_cast %reduce_min3A_241 : vector<256xf32> to vector<256x1xf32>
    %eq3A_243 = vector.broadcast %broadcast_in_dim3A_242 : vector<256x1xf32> to vector<256x4096xf32>
    %eq3A_244 = arith.cmpf oeq, %select_n3A_239, %eq3A_243 : vector<256x4096xf32>
    %jit3A_245 = arith.constant 4096 : i32
    %broadcast_in_dim3A_246 = vector.broadcast %jit3A_245 : i32 to vector<256x4096xi32>
    %select_n3A_247 = arith.select %eq3A_244, %iota3A, %broadcast_in_dim3A_246 : vector<256x4096xi1>, vector<256x4096xi32>
    %reduce_min3A_248 = arith.constant dense<2147483647> : vector<256xi32>
    %reduce_min3A_249 = vector.multi_reduction <minsi>, %select_n3A_247, %reduce_min3A_248 [1] : vector<256x4096xi32> to vector<256xi32>
    %broadcast_in_dim3A_250 = vector.shape_cast %reduce_min3A_249 : vector<256xi32> to vector<256x1xi32>
    %eq3A_251 = arith.constant 9 : i32
    %eq3A_252 = vector.broadcast %eq3A_251 : i32 to vector<256x16xi32>
    %eq3A_253 = arith.cmpi eq, %iota3A_60, %eq3A_252 : vector<256x16xi32>
    %broadcast_in_dim3A_254 = vector.shape_cast %broadcast_in_dim3A_250 : vector<256x1xi32> to vector<256x1xi32>
    %broadcast_in_dim3A_255 = vector.broadcast %broadcast_in_dim3A_254 : vector<256x1xi32> to vector<256x16xi32>
    %select_n3A_256 = arith.select %eq3A_253, %broadcast_in_dim3A_255, %select_n3A_236 : vector<256x16xi1>, vector<256x16xi32>
    %jit3A_257 = arith.constant 0x7F800000 : f32
    %broadcast_in_dim3A_258 = vector.broadcast %jit3A_257 : f32 to vector<256x4096xf32>
    %select_n3A_259 = arith.select %eq3A_244, %broadcast_in_dim3A_258, %select_n3A_239 : vector<256x4096xi1>, vector<256x4096xf32>
    %reduce_min3A_260 = arith.constant dense<0x7F800000> : vector<256xf32>
    %reduce_min3A_261 = vector.multi_reduction <minimumf>, %select_n3A_259, %reduce_min3A_260 [1] : vector<256x4096xf32> to vector<256xf32>
    %broadcast_in_dim3A_262 = vector.shape_cast %reduce_min3A_261 : vector<256xf32> to vector<256x1xf32>
    %eq3A_263 = vector.broadcast %broadcast_in_dim3A_262 : vector<256x1xf32> to vector<256x4096xf32>
    %eq3A_264 = arith.cmpf oeq, %select_n3A_259, %eq3A_263 : vector<256x4096xf32>
    %jit3A_265 = arith.constant 4096 : i32
    %broadcast_in_dim3A_266 = vector.broadcast %jit3A_265 : i32 to vector<256x4096xi32>
    %select_n3A_267 = arith.select %eq3A_264, %iota3A, %broadcast_in_dim3A_266 : vector<256x4096xi1>, vector<256x4096xi32>
    %reduce_min3A_268 = arith.constant dense<2147483647> : vector<256xi32>
    %reduce_min3A_269 = vector.multi_reduction <minsi>, %select_n3A_267, %reduce_min3A_268 [1] : vector<256x4096xi32> to vector<256xi32>
    %broadcast_in_dim3A_270 = vector.shape_cast %reduce_min3A_269 : vector<256xi32> to vector<256x1xi32>
    %eq3A_271 = arith.constant 10 : i32
    %eq3A_272 = vector.broadcast %eq3A_271 : i32 to vector<256x16xi32>
    %eq3A_273 = arith.cmpi eq, %iota3A_60, %eq3A_272 : vector<256x16xi32>
    %broadcast_in_dim3A_274 = vector.shape_cast %broadcast_in_dim3A_270 : vector<256x1xi32> to vector<256x1xi32>
    %broadcast_in_dim3A_275 = vector.broadcast %broadcast_in_dim3A_274 : vector<256x1xi32> to vector<256x16xi32>
    %select_n3A_276 = arith.select %eq3A_273, %broadcast_in_dim3A_275, %select_n3A_256 : vector<256x16xi1>, vector<256x16xi32>
    %jit3A_277 = arith.constant 0x7F800000 : f32
    %broadcast_in_dim3A_278 = vector.broadcast %jit3A_277 : f32 to vector<256x4096xf32>
    %select_n3A_279 = arith.select %eq3A_264, %broadcast_in_dim3A_278, %select_n3A_259 : vector<256x4096xi1>, vector<256x4096xf32>
    %reduce_min3A_280 = arith.constant dense<0x7F800000> : vector<256xf32>
    %reduce_min3A_281 = vector.multi_reduction <minimumf>, %select_n3A_279, %reduce_min3A_280 [1] : vector<256x4096xf32> to vector<256xf32>
    %broadcast_in_dim3A_282 = vector.shape_cast %reduce_min3A_281 : vector<256xf32> to vector<256x1xf32>
    %eq3A_283 = vector.broadcast %broadcast_in_dim3A_282 : vector<256x1xf32> to vector<256x4096xf32>
    %eq3A_284 = arith.cmpf oeq, %select_n3A_279, %eq3A_283 : vector<256x4096xf32>
    %jit3A_285 = arith.constant 4096 : i32
    %broadcast_in_dim3A_286 = vector.broadcast %jit3A_285 : i32 to vector<256x4096xi32>
    %select_n3A_287 = arith.select %eq3A_284, %iota3A, %broadcast_in_dim3A_286 : vector<256x4096xi1>, vector<256x4096xi32>
    %reduce_min3A_288 = arith.constant dense<2147483647> : vector<256xi32>
    %reduce_min3A_289 = vector.multi_reduction <minsi>, %select_n3A_287, %reduce_min3A_288 [1] : vector<256x4096xi32> to vector<256xi32>
    %broadcast_in_dim3A_290 = vector.shape_cast %reduce_min3A_289 : vector<256xi32> to vector<256x1xi32>
    %eq3A_291 = arith.constant 11 : i32
    %eq3A_292 = vector.broadcast %eq3A_291 : i32 to vector<256x16xi32>
    %eq3A_293 = arith.cmpi eq, %iota3A_60, %eq3A_292 : vector<256x16xi32>
    %broadcast_in_dim3A_294 = vector.shape_cast %broadcast_in_dim3A_290 : vector<256x1xi32> to vector<256x1xi32>
    %broadcast_in_dim3A_295 = vector.broadcast %broadcast_in_dim3A_294 : vector<256x1xi32> to vector<256x16xi32>
    %select_n3A_296 = arith.select %eq3A_293, %broadcast_in_dim3A_295, %select_n3A_276 : vector<256x16xi1>, vector<256x16xi32>
    %jit3A_297 = arith.constant 0x7F800000 : f32
    %broadcast_in_dim3A_298 = vector.broadcast %jit3A_297 : f32 to vector<256x4096xf32>
    %select_n3A_299 = arith.select %eq3A_284, %broadcast_in_dim3A_298, %select_n3A_279 : vector<256x4096xi1>, vector<256x4096xf32>
    %reduce_min3A_300 = arith.constant dense<0x7F800000> : vector<256xf32>
    %reduce_min3A_301 = vector.multi_reduction <minimumf>, %select_n3A_299, %reduce_min3A_300 [1] : vector<256x4096xf32> to vector<256xf32>
    %broadcast_in_dim3A_302 = vector.shape_cast %reduce_min3A_301 : vector<256xf32> to vector<256x1xf32>
    %eq3A_303 = vector.broadcast %broadcast_in_dim3A_302 : vector<256x1xf32> to vector<256x4096xf32>
    %eq3A_304 = arith.cmpf oeq, %select_n3A_299, %eq3A_303 : vector<256x4096xf32>
    %jit3A_305 = arith.constant 4096 : i32
    %broadcast_in_dim3A_306 = vector.broadcast %jit3A_305 : i32 to vector<256x4096xi32>
    %select_n3A_307 = arith.select %eq3A_304, %iota3A, %broadcast_in_dim3A_306 : vector<256x4096xi1>, vector<256x4096xi32>
    %reduce_min3A_308 = arith.constant dense<2147483647> : vector<256xi32>
    %reduce_min3A_309 = vector.multi_reduction <minsi>, %select_n3A_307, %reduce_min3A_308 [1] : vector<256x4096xi32> to vector<256xi32>
    %broadcast_in_dim3A_310 = vector.shape_cast %reduce_min3A_309 : vector<256xi32> to vector<256x1xi32>
    %eq3A_311 = arith.constant 12 : i32
    %eq3A_312 = vector.broadcast %eq3A_311 : i32 to vector<256x16xi32>
    %eq3A_313 = arith.cmpi eq, %iota3A_60, %eq3A_312 : vector<256x16xi32>
    %broadcast_in_dim3A_314 = vector.shape_cast %broadcast_in_dim3A_310 : vector<256x1xi32> to vector<256x1xi32>
    %broadcast_in_dim3A_315 = vector.broadcast %broadcast_in_dim3A_314 : vector<256x1xi32> to vector<256x16xi32>
    %select_n3A_316 = arith.select %eq3A_313, %broadcast_in_dim3A_315, %select_n3A_296 : vector<256x16xi1>, vector<256x16xi32>
    %jit3A_317 = arith.constant 0x7F800000 : f32
    %broadcast_in_dim3A_318 = vector.broadcast %jit3A_317 : f32 to vector<256x4096xf32>
    %select_n3A_319 = arith.select %eq3A_304, %broadcast_in_dim3A_318, %select_n3A_299 : vector<256x4096xi1>, vector<256x4096xf32>
    %reduce_min3A_320 = arith.constant dense<0x7F800000> : vector<256xf32>
    %reduce_min3A_321 = vector.multi_reduction <minimumf>, %select_n3A_319, %reduce_min3A_320 [1] : vector<256x4096xf32> to vector<256xf32>
    %broadcast_in_dim3A_322 = vector.shape_cast %reduce_min3A_321 : vector<256xf32> to vector<256x1xf32>
    %eq3A_323 = vector.broadcast %broadcast_in_dim3A_322 : vector<256x1xf32> to vector<256x4096xf32>
    %eq3A_324 = arith.cmpf oeq, %select_n3A_319, %eq3A_323 : vector<256x4096xf32>
    %jit3A_325 = arith.constant 4096 : i32
    %broadcast_in_dim3A_326 = vector.broadcast %jit3A_325 : i32 to vector<256x4096xi32>
    %select_n3A_327 = arith.select %eq3A_324, %iota3A, %broadcast_in_dim3A_326 : vector<256x4096xi1>, vector<256x4096xi32>
    %reduce_min3A_328 = arith.constant dense<2147483647> : vector<256xi32>
    %reduce_min3A_329 = vector.multi_reduction <minsi>, %select_n3A_327, %reduce_min3A_328 [1] : vector<256x4096xi32> to vector<256xi32>
    %broadcast_in_dim3A_330 = vector.shape_cast %reduce_min3A_329 : vector<256xi32> to vector<256x1xi32>
    %eq3A_331 = arith.constant 13 : i32
    %eq3A_332 = vector.broadcast %eq3A_331 : i32 to vector<256x16xi32>
    %eq3A_333 = arith.cmpi eq, %iota3A_60, %eq3A_332 : vector<256x16xi32>
    %broadcast_in_dim3A_334 = vector.shape_cast %broadcast_in_dim3A_330 : vector<256x1xi32> to vector<256x1xi32>
    %broadcast_in_dim3A_335 = vector.broadcast %broadcast_in_dim3A_334 : vector<256x1xi32> to vector<256x16xi32>
    %select_n3A_336 = arith.select %eq3A_333, %broadcast_in_dim3A_335, %select_n3A_316 : vector<256x16xi1>, vector<256x16xi32>
    %jit3A_337 = arith.constant 0x7F800000 : f32
    %broadcast_in_dim3A_338 = vector.broadcast %jit3A_337 : f32 to vector<256x4096xf32>
    %select_n3A_339 = arith.select %eq3A_324, %broadcast_in_dim3A_338, %select_n3A_319 : vector<256x4096xi1>, vector<256x4096xf32>
    %reduce_min3A_340 = arith.constant dense<0x7F800000> : vector<256xf32>
    %reduce_min3A_341 = vector.multi_reduction <minimumf>, %select_n3A_339, %reduce_min3A_340 [1] : vector<256x4096xf32> to vector<256xf32>
    %broadcast_in_dim3A_342 = vector.shape_cast %reduce_min3A_341 : vector<256xf32> to vector<256x1xf32>
    %eq3A_343 = vector.broadcast %broadcast_in_dim3A_342 : vector<256x1xf32> to vector<256x4096xf32>
    %eq3A_344 = arith.cmpf oeq, %select_n3A_339, %eq3A_343 : vector<256x4096xf32>
    %jit3A_345 = arith.constant 4096 : i32
    %broadcast_in_dim3A_346 = vector.broadcast %jit3A_345 : i32 to vector<256x4096xi32>
    %select_n3A_347 = arith.select %eq3A_344, %iota3A, %broadcast_in_dim3A_346 : vector<256x4096xi1>, vector<256x4096xi32>
    %reduce_min3A_348 = arith.constant dense<2147483647> : vector<256xi32>
    %reduce_min3A_349 = vector.multi_reduction <minsi>, %select_n3A_347, %reduce_min3A_348 [1] : vector<256x4096xi32> to vector<256xi32>
    %broadcast_in_dim3A_350 = vector.shape_cast %reduce_min3A_349 : vector<256xi32> to vector<256x1xi32>
    %eq3A_351 = arith.constant 14 : i32
    %eq3A_352 = vector.broadcast %eq3A_351 : i32 to vector<256x16xi32>
    %eq3A_353 = arith.cmpi eq, %iota3A_60, %eq3A_352 : vector<256x16xi32>
    %broadcast_in_dim3A_354 = vector.shape_cast %broadcast_in_dim3A_350 : vector<256x1xi32> to vector<256x1xi32>
    %broadcast_in_dim3A_355 = vector.broadcast %broadcast_in_dim3A_354 : vector<256x1xi32> to vector<256x16xi32>
    %select_n3A_356 = arith.select %eq3A_353, %broadcast_in_dim3A_355, %select_n3A_336 : vector<256x16xi1>, vector<256x16xi32>
    %jit3A_357 = arith.constant 0x7F800000 : f32
    %broadcast_in_dim3A_358 = vector.broadcast %jit3A_357 : f32 to vector<256x4096xf32>
    %select_n3A_359 = arith.select %eq3A_344, %broadcast_in_dim3A_358, %select_n3A_339 : vector<256x4096xi1>, vector<256x4096xf32>
    %reduce_min3A_360 = arith.constant dense<0x7F800000> : vector<256xf32>
    %reduce_min3A_361 = vector.multi_reduction <minimumf>, %select_n3A_359, %reduce_min3A_360 [1] : vector<256x4096xf32> to vector<256xf32>
    %broadcast_in_dim3A_362 = vector.shape_cast %reduce_min3A_361 : vector<256xf32> to vector<256x1xf32>
    %eq3A_363 = vector.broadcast %broadcast_in_dim3A_362 : vector<256x1xf32> to vector<256x4096xf32>
    %eq3A_364 = arith.cmpf oeq, %select_n3A_359, %eq3A_363 : vector<256x4096xf32>
    %jit3A_365 = arith.constant 4096 : i32
    %broadcast_in_dim3A_366 = vector.broadcast %jit3A_365 : i32 to vector<256x4096xi32>
    %select_n3A_367 = arith.select %eq3A_364, %iota3A, %broadcast_in_dim3A_366 : vector<256x4096xi1>, vector<256x4096xi32>
    %reduce_min3A_368 = arith.constant dense<2147483647> : vector<256xi32>
    %reduce_min3A_369 = vector.multi_reduction <minsi>, %select_n3A_367, %reduce_min3A_368 [1] : vector<256x4096xi32> to vector<256xi32>
    %broadcast_in_dim3A_370 = vector.shape_cast %reduce_min3A_369 : vector<256xi32> to vector<256x1xi32>
    %eq3A_371 = arith.constant 15 : i32
    %eq3A_372 = vector.broadcast %eq3A_371 : i32 to vector<256x16xi32>
    %eq3A_373 = arith.cmpi eq, %iota3A_60, %eq3A_372 : vector<256x16xi32>
    %broadcast_in_dim3A_374 = vector.shape_cast %broadcast_in_dim3A_370 : vector<256x1xi32> to vector<256x1xi32>
    %broadcast_in_dim3A_375 = vector.broadcast %broadcast_in_dim3A_374 : vector<256x1xi32> to vector<256x16xi32>
    %select_n3A_376 = arith.select %eq3A_373, %broadcast_in_dim3A_375, %select_n3A_356 : vector<256x16xi1>, vector<256x16xi32>
    %mul3A_377 = arith.constant 4096 : i32
    %mul3A_378 = arith.muli %arg0, %mul3A_377 : i32
    %add3A_379 = vector.broadcast %mul3A_378 : i32 to vector<256x16xi32>
    %add3A_380 = arith.addi %select_n3A_376, %add3A_379 : vector<256x16xi32>
    %swap3A_381 = arith.constant 0 : index
    %swap3A_382 = arith.constant 0 : index
    %swap3A_383 = vector.load %arg12[%swap3A_381, %swap3A_382] : memref<256x16xi32, #tpu.memory_space<vmem>>, vector<256x16xi32>
    tpu.vector_store %arg12[%swap3A_381, %swap3A_382], %add3A_380 {strides = array<i32>} : memref<256x16xi32, #tpu.memory_space<vmem>>, vector<256x16xi32>,
    return
  }
  func.func @transform_0(%arg0: i32, %arg1: i32) -> (i32, i32, i32) {
    %c0_i32 = arith.constant 0 : i32
    %c0_i32_0 = arith.constant 0 : i32
    %c0_i32_1 = arith.constant 0 : i32
    return %arg0, %c0_i32, %c0_i32_0 : i32, i32, i32
  }
  func.func @transform_1(%arg0: i32, %arg1: i32) -> (i32, i32) {
    %mul3A = arith.constant 16 : i32
    %mul3A_0 = arith.muli %arg0, %mul3A : i32
    %add3A = arith.addi %mul3A_0, %arg1 : i32
    %c0_i32 = arith.constant 0 : i32
    %c0_i32_1 = arith.constant 0 : i32
    return %add3A, %c0_i32 : i32, i32
  }
  func.func @transform_2(%arg0: i32, %arg1: i32) -> (i32, i32) {
    %mul3A = arith.constant 16 : i32
    %mul3A_0 = arith.muli %arg0, %mul3A : i32
    %add3A = arith.addi %mul3A_0, %arg1 : i32
    %c0_i32 = arith.constant 0 : i32
    %c0_i32_1 = arith.constant 0 : i32
    return %add3A, %c0_i32 : i32, i32
  }
  func.func @transform_3(%arg0: i32, %arg1: i32) -> (i32, i32) {
    %c0_i32 = arith.constant 0 : i32
    %c0_i32_0 = arith.constant 0 : i32
    %c0_i32_1 = arith.constant 0 : i32
    return %c0_i32, %c0_i32_0 : i32, i32
  }
  func.func @transform_4(%arg0: i32, %arg1: i32) -> (i32, i32) {
    %c0_i32 = arith.constant 0 : i32
    %c0_i32_0 = arith.constant 0 : i32
    %c0_i32_1 = arith.constant 0 : i32
    return %c0_i32, %c0_i32_0 : i32, i32
  }
  func.func @transform_5(%arg0: i32, %arg1: i32) -> (i32, i32) {
    %c0_i32 = arith.constant 0 : i32
    %c0_i32_0 = arith.constant 0 : i32
    %c0_i32_1 = arith.constant 0 : i32
    return %c0_i32, %c0_i32_0 : i32, i32
  }
  func.func @transform_6(%arg0: i32, %arg1: i32) -> (i32, i32) {
    %c0_i32 = arith.constant 0 : i32
    %c0_i32_0 = arith.constant 0 : i32
    %c0_i32_1 = arith.constant 0 : i32
    return %c0_i32, %c0_i32_0 : i32, i32
  }
  func.func @transform_7(%arg0: i32, %arg1: i32) -> (i32, i32) {
    %mul3A = arith.constant 16 : i32
    %mul3A_0 = arith.muli %arg0, %mul3A : i32
    %add3A = arith.addi %mul3A_0, %arg1 : i32
    %c0_i32 = arith.constant 0 : i32
    %c0_i32_1 = arith.constant 0 : i32
    return %add3A, %c0_i32 : i32, i32
  }
  func.func @transform_8(%arg0: i32, %arg1: i32) -> (i32, i32) {
    %mul3A = arith.constant 16 : i32
    %mul3A_0 = arith.muli %arg0, %mul3A : i32
    %add3A = arith.addi %mul3A_0, %arg1 : i32
    %c0_i32 = arith.constant 0 : i32
    %c0_i32_1 = arith.constant 0 : i32
    return %add3A, %c0_i32 : i32, i32
  }
  func.func @transform_9(%arg0: i32, %arg1: i32) -> (i32, i32) {
    %mul3A = arith.constant 16 : i32
    %mul3A_0 = arith.muli %arg0, %mul3A : i32
    %add3A = arith.addi %mul3A_0, %arg1 : i32
    %c0_i32 = arith.constant 0 : i32
    %c0_i32_1 = arith.constant 0 : i32
    return %add3A, %c0_i32 : i32, i32
  }
  func.func @transform_10(%arg0: i32, %arg1: i32) -> (i32, i32) {
    %mul3A = arith.constant 16 : i32
    %mul3A_0 = arith.muli %arg0, %mul3A : i32
    %add3A = arith.addi %mul3A_0, %arg1 : i32
    %c0_i32 = arith.constant 0 : i32
    %c0_i32_1 = arith.constant 0 : i32
    return %add3A, %c0_i32 : i32, i32
  }
}

module attributes {stable_mosaic.version = 14 : i64} {
  func.func @_pos_stats_body(%arg0: i32, %arg1: memref<512x16x128xf32, #tpu.memory_space<vmem>>, %arg2: memref<512x16xf32, #tpu.memory_space<vmem>>, %arg3: memref<8x16xf32, #tpu.memory_space<vmem>>, %arg4: memref<16x16xf32, #tpu.memory_space<vmem>>) attributes {dimension_semantics = [#tpu.dimension_semantics<arbitrary>], iteration_bounds = array<i64: 32>, scalar_prefetch = 0 : i64, scratch_operands = 0 : i64, tpu.core_type = #tpu.core_type<tc>, window_params = [{transform_indices = @transform_0, window_bounds = array<i64: 512, 16, 128>}, {transform_indices = @transform_1, window_bounds = array<i64: 512, 16>}, {pipeline_mode = #tpu.pipeline_mode<synchronous>, transform_indices = @transform_2, window_bounds = array<i64: 8, 16>}, {pipeline_mode = #tpu.pipeline_mode<synchronous>, transform_indices = @transform_3, window_bounds = array<i64: 16, 16>}]} {
    %get3A = arith.constant 0 : index
    %get3A_0 = arith.constant 0 : index
    %get3A_1 = arith.constant 0 : index
    %get3A_2 = vector.load %arg1[%get3A, %get3A_0, %get3A_1] : memref<512x16x128xf32, #tpu.memory_space<vmem>>, vector<512x16x128xf32>
    %slice3A = vector.extract_strided_slice %get3A_2 {offsets = [0, 0, 64], sizes = [512, 16, 16], strides = [1, 1, 1]} : vector<512x16x128xf32> to vector<512x16x16xf32>
    %get3A_3 = arith.constant 0 : index
    %get3A_4 = arith.constant 0 : index
    %get3A_5 = vector.load %arg2[%get3A_3, %get3A_4] : memref<512x16xf32, #tpu.memory_space<vmem>>, vector<512x16xf32>
    %broadcast_in_dim3A = vector.shape_cast %get3A_5 : vector<512x16xf32> to vector<512x1x16xf32>
    %sub3A = vector.broadcast %broadcast_in_dim3A : vector<512x1x16xf32> to vector<512x16x16xf32>
    %sub3A_6 = arith.subf %sub3A, %slice3A : vector<512x16x16xf32>
    %reshape3A = vector.shape_cast %sub3A_6 : vector<512x16x16xf32> to vector<8192x16xf32>
    %dot_general3A = arith.constant dense<0.000000e+00> : vector<16x16xf32>
    %dot_general3A_7 = tpu.matmul %reshape3A, %reshape3A, %dot_general3A {dimension_numbers = #tpu.dot_dimension_numbers<[0], [0], [1], [1], [0, 1, 1, 1], [], []>, transpose_lhs_hint = false} : vector<8192x16xf32>, vector<8192x16xf32>, vector<16x16xf32> -> vector<16x16xf32>
    %reduce_sum3A = arith.constant dense<0.000000e+00> : vector<16xf32>
    %reduce_sum3A_8 = vector.multi_reduction <add>, %reshape3A, %reduce_sum3A [0] : vector<8192x16xf32> to vector<16xf32>
    %broadcast_in_dim3A_9 = vector.shape_cast %reduce_sum3A_8 : vector<16xf32> to vector<1x16xf32>
    %eq3A = arith.constant 0 : i32
    %eq3A_10 = arith.cmpi eq, %arg0, %eq3A : i32
    %convert_element_type3A = arith.extui %eq3A_10 : i1 to i32
    %cond3A = arith.constant 0 : i32
    %cond3A_11 = arith.cmpi ne, %convert_element_type3A, %cond3A : i32
    scf.if %cond3A_11 {
      %swap3A = arith.constant 0 : index
      %swap3A_28 = arith.constant 0 : index
      %swap3A_29 = vector.load %arg4[%swap3A, %swap3A_28] : memref<16x16xf32, #tpu.memory_space<vmem>>, vector<16x16xf32>
      tpu.vector_store %arg4[%swap3A, %swap3A_28], %dot_general3A_7 {strides = array<i32>} : memref<16x16xf32, #tpu.memory_space<vmem>>, vector<16x16xf32>,
    } else {
    }
    %ne3A = arith.constant 0 : i32
    %ne3A_12 = arith.cmpi ne, %arg0, %ne3A : i32
    %convert_element_type3A_13 = arith.extui %ne3A_12 : i1 to i32
    %cond3A_14 = arith.constant 0 : i32
    %cond3A_15 = arith.cmpi ne, %convert_element_type3A_13, %cond3A_14 : i32
    scf.if %cond3A_15 {
      %get3A_28 = arith.constant 0 : index
      %get3A_29 = arith.constant 0 : index
      %get3A_30 = vector.load %arg4[%get3A_28, %get3A_29] : memref<16x16xf32, #tpu.memory_space<vmem>>, vector<16x16xf32>
      %add3A = arith.addf %get3A_30, %dot_general3A_7 : vector<16x16xf32>
      %swap3A = arith.constant 0 : index
      %swap3A_31 = arith.constant 0 : index
      %swap3A_32 = vector.load %arg4[%swap3A, %swap3A_31] : memref<16x16xf32, #tpu.memory_space<vmem>>, vector<16x16xf32>
      tpu.vector_store %arg4[%swap3A, %swap3A_31], %add3A {strides = array<i32>} : memref<16x16xf32, #tpu.memory_space<vmem>>, vector<16x16xf32>,
    } else {
    }
    %broadcast_in_dim3A_16 = vector.shape_cast %broadcast_in_dim3A_9 : vector<1x16xf32> to vector<1x16xf32>
    %broadcast_in_dim3A_17 = vector.broadcast %broadcast_in_dim3A_16 : vector<1x16xf32> to vector<8x16xf32>
    %eq3A_18 = arith.constant 0 : i32
    %eq3A_19 = arith.cmpi eq, %arg0, %eq3A_18 : i32
    %convert_element_type3A_20 = arith.extui %eq3A_19 : i1 to i32
    %cond3A_21 = arith.constant 0 : i32
    %cond3A_22 = arith.cmpi ne, %convert_element_type3A_20, %cond3A_21 : i32
    scf.if %cond3A_22 {
      %swap3A = arith.constant 0 : index
      %swap3A_28 = arith.constant 0 : index
      %swap3A_29 = vector.load %arg3[%swap3A, %swap3A_28] : memref<8x16xf32, #tpu.memory_space<vmem>>, vector<8x16xf32>
      tpu.vector_store %arg3[%swap3A, %swap3A_28], %broadcast_in_dim3A_17 {strides = array<i32>} : memref<8x16xf32, #tpu.memory_space<vmem>>, vector<8x16xf32>,
    } else {
    }
    %ne3A_23 = arith.constant 0 : i32
    %ne3A_24 = arith.cmpi ne, %arg0, %ne3A_23 : i32
    %convert_element_type3A_25 = arith.extui %ne3A_24 : i1 to i32
    %cond3A_26 = arith.constant 0 : i32
    %cond3A_27 = arith.cmpi ne, %convert_element_type3A_25, %cond3A_26 : i32
    scf.if %cond3A_27 {
      %get3A_28 = arith.constant 0 : index
      %get3A_29 = arith.constant 0 : index
      %get3A_30 = vector.load %arg3[%get3A_28, %get3A_29] : memref<8x16xf32, #tpu.memory_space<vmem>>, vector<8x16xf32>
      %add3A = arith.addf %get3A_30, %broadcast_in_dim3A_17 : vector<8x16xf32>
      %swap3A = arith.constant 0 : index
      %swap3A_31 = arith.constant 0 : index
      %swap3A_32 = vector.load %arg3[%swap3A, %swap3A_31] : memref<8x16xf32, #tpu.memory_space<vmem>>, vector<8x16xf32>
      tpu.vector_store %arg3[%swap3A, %swap3A_31], %add3A {strides = array<i32>} : memref<8x16xf32, #tpu.memory_space<vmem>>, vector<8x16xf32>,
    } else {
    }
    return
  }
  func.func @transform_0(%arg0: i32) -> (i32, i32, i32) {
    %c0_i32 = arith.constant 0 : i32
    %c0_i32_0 = arith.constant 0 : i32
    %c0_i32_1 = arith.constant 0 : i32
    return %arg0, %c0_i32, %c0_i32_0 : i32, i32, i32
  }
  func.func @transform_1(%arg0: i32) -> (i32, i32) {
    %c0_i32 = arith.constant 0 : i32
    %c0_i32_0 = arith.constant 0 : i32
    return %arg0, %c0_i32 : i32, i32
  }
  func.func @transform_2(%arg0: i32) -> (i32, i32) {
    %c0_i32 = arith.constant 0 : i32
    %c0_i32_0 = arith.constant 0 : i32
    %c0_i32_1 = arith.constant 0 : i32
    return %c0_i32, %c0_i32_0 : i32, i32
  }
  func.func @transform_3(%arg0: i32) -> (i32, i32) {
    %c0_i32 = arith.constant 0 : i32
    %c0_i32_0 = arith.constant 0 : i32
    %c0_i32_1 = arith.constant 0 : i32
    return %c0_i32, %c0_i32_0 : i32, i32
  }
}

module attributes {stable_mosaic.version = 14 : i64} {
  func.func @_t_stats_body(%arg0: i32, %arg1: memref<512x16x128xf32, #tpu.memory_space<vmem>>, %arg2: memref<512x16xf32, #tpu.memory_space<vmem>>, %arg3: memref<512x64xf32, #tpu.memory_space<vmem>>, %arg4: memref<16x64xf32, #tpu.memory_space<vmem>>, %arg5: memref<64x64xf32, #tpu.memory_space<vmem>>, %arg6: memref<8x64xf32, #tpu.memory_space<vmem>>, %arg7: memref<8x64xf32, #tpu.memory_space<vmem>>, %arg8: memref<64x64xf32, #tpu.memory_space<vmem>>) attributes {dimension_semantics = [#tpu.dimension_semantics<arbitrary>], iteration_bounds = array<i64: 32>, scalar_prefetch = 0 : i64, scratch_operands = 0 : i64, tpu.core_type = #tpu.core_type<tc>, window_params = [{transform_indices = @transform_0, window_bounds = array<i64: 512, 16, 128>}, {transform_indices = @transform_1, window_bounds = array<i64: 512, 16>}, {transform_indices = @transform_2, window_bounds = array<i64: 512, 64>}, {pipeline_mode = #tpu.pipeline_mode<synchronous>, transform_indices = @transform_3, window_bounds = array<i64: 16, 64>}, {pipeline_mode = #tpu.pipeline_mode<synchronous>, transform_indices = @transform_4, window_bounds = array<i64: 64, 64>}, {pipeline_mode = #tpu.pipeline_mode<synchronous>, transform_indices = @transform_5, window_bounds = array<i64: 8, 64>}, {pipeline_mode = #tpu.pipeline_mode<synchronous>, transform_indices = @transform_6, window_bounds = array<i64: 8, 64>}, {pipeline_mode = #tpu.pipeline_mode<synchronous>, transform_indices = @transform_7, window_bounds = array<i64: 64, 64>}]} {
    %get3A = arith.constant 0 : index
    %get3A_0 = arith.constant 0 : index
    %get3A_1 = arith.constant 0 : index
    %get3A_2 = vector.load %arg1[%get3A, %get3A_0, %get3A_1] : memref<512x16x128xf32, #tpu.memory_space<vmem>>, vector<512x16x128xf32>
    %slice3A = vector.extract_strided_slice %get3A_2 {offsets = [0, 0, 64], sizes = [512, 16, 16], strides = [1, 1, 1]} : vector<512x16x128xf32> to vector<512x16x16xf32>
    %get3A_3 = arith.constant 0 : index
    %get3A_4 = arith.constant 0 : index
    %get3A_5 = vector.load %arg2[%get3A_3, %get3A_4] : memref<512x16xf32, #tpu.memory_space<vmem>>, vector<512x16xf32>
    %broadcast_in_dim3A = vector.shape_cast %get3A_5 : vector<512x16xf32> to vector<512x1x16xf32>
    %sub3A = vector.broadcast %broadcast_in_dim3A : vector<512x1x16xf32> to vector<512x16x16xf32>
    %sub3A_6 = arith.subf %sub3A, %slice3A : vector<512x16x16xf32>
    %reshape3A = vector.shape_cast %sub3A_6 : vector<512x16x16xf32> to vector<8192x16xf32>
    %get3A_7 = arith.constant 0 : index
    %get3A_8 = arith.constant 0 : index
    %get3A_9 = vector.load %arg4[%get3A_7, %get3A_8] : memref<16x64xf32, #tpu.memory_space<vmem>>, vector<16x64xf32>
    %dot_general3A = arith.constant dense<0.000000e+00> : vector<8192x64xf32>
    %dot_general3A_10 = tpu.matmul %reshape3A, %get3A_9, %dot_general3A {dimension_numbers = #tpu.dot_dimension_numbers<[1], [0], [0], [1], [0, 0, 1, 1], [], []>, transpose_lhs_hint = false} : vector<8192x16xf32>, vector<16x64xf32>, vector<8192x64xf32> -> vector<8192x64xf32>
    %get3A_11 = arith.constant 0 : index
    %get3A_12 = arith.constant 0 : index
    %get3A_13 = vector.load %arg6[%get3A_11, %get3A_12] : memref<8x64xf32, #tpu.memory_space<vmem>>, vector<1x64xf32>
    %add3A = vector.broadcast %get3A_13 : vector<1x64xf32> to vector<8192x64xf32>
    %add3A_14 = arith.addf %dot_general3A_10, %add3A : vector<8192x64xf32>
    %max3A = arith.constant 0.000000e+00 : f32
    %max3A_15 = vector.broadcast %max3A : f32 to vector<8192x64xf32>
    %max3A_16 = arith.maximumf %add3A_14, %max3A_15 : vector<8192x64xf32>
    %get3A_17 = arith.constant 0 : index
    %get3A_18 = arith.constant 0 : index
    %get3A_19 = vector.load %arg5[%get3A_17, %get3A_18] : memref<64x64xf32, #tpu.memory_space<vmem>>, vector<64x64xf32>
    %dot_general3A_20 = arith.constant dense<0.000000e+00> : vector<8192x64xf32>
    %dot_general3A_21 = tpu.matmul %max3A_16, %get3A_19, %dot_general3A_20 {dimension_numbers = #tpu.dot_dimension_numbers<[1], [0], [0], [1], [0, 0, 1, 1], [], []>, transpose_lhs_hint = false} : vector<8192x64xf32>, vector<64x64xf32>, vector<8192x64xf32> -> vector<8192x64xf32>
    %get3A_22 = arith.constant 1 : index
    %get3A_23 = arith.constant 0 : index
    %get3A_24 = vector.load %arg6[%get3A_22, %get3A_23] : memref<8x64xf32, #tpu.memory_space<vmem>>, vector<1x64xf32>
    %add3A_25 = vector.broadcast %get3A_24 : vector<1x64xf32> to vector<8192x64xf32>
    %add3A_26 = arith.addf %dot_general3A_21, %add3A_25 : vector<8192x64xf32>
    %get3A_27 = arith.constant 0 : index
    %get3A_28 = arith.constant 0 : index
    %get3A_29 = vector.load %arg3[%get3A_27, %get3A_28] : memref<512x64xf32, #tpu.memory_space<vmem>>, vector<512x64xf32>
    %broadcast_in_dim3A_30 = vector.shape_cast %get3A_29 : vector<512x64xf32> to vector<512x1x64xf32>
    %slice3A_31 = vector.extract_strided_slice %get3A_2 {offsets = [0, 0, 0], sizes = [512, 16, 64], strides = [1, 1, 1]} : vector<512x16x128xf32> to vector<512x16x64xf32>
    %sub3A_32 = vector.broadcast %broadcast_in_dim3A_30 : vector<512x1x64xf32> to vector<512x16x64xf32>
    %sub3A_33 = arith.subf %sub3A_32, %slice3A_31 : vector<512x16x64xf32>
    %reshape3A_34 = vector.shape_cast %sub3A_33 : vector<512x16x64xf32> to vector<8192x64xf32>
    %add3A_35 = arith.addf %reshape3A_34, %add3A_26 : vector<8192x64xf32>
    %dot_general3A_36 = arith.constant dense<0.000000e+00> : vector<64x64xf32>
    %dot_general3A_37 = tpu.matmul %add3A_35, %add3A_35, %dot_general3A_36 {dimension_numbers = #tpu.dot_dimension_numbers<[0], [0], [1], [1], [0, 1, 1, 1], [], []>, transpose_lhs_hint = false} : vector<8192x64xf32>, vector<8192x64xf32>, vector<64x64xf32> -> vector<64x64xf32>
    %reduce_sum3A = arith.constant dense<0.000000e+00> : vector<64xf32>
    %reduce_sum3A_38 = vector.multi_reduction <add>, %add3A_35, %reduce_sum3A [0] : vector<8192x64xf32> to vector<64xf32>
    %broadcast_in_dim3A_39 = vector.shape_cast %reduce_sum3A_38 : vector<64xf32> to vector<1x64xf32>
    %eq3A = arith.constant 0 : i32
    %eq3A_40 = arith.cmpi eq, %arg0, %eq3A : i32
    %convert_element_type3A = arith.extui %eq3A_40 : i1 to i32
    %cond3A = arith.constant 0 : i32
    %cond3A_41 = arith.cmpi ne, %convert_element_type3A, %cond3A : i32
    scf.if %cond3A_41 {
      %swap3A = arith.constant 0 : index
      %swap3A_58 = arith.constant 0 : index
      %swap3A_59 = vector.load %arg8[%swap3A, %swap3A_58] : memref<64x64xf32, #tpu.memory_space<vmem>>, vector<64x64xf32>
      tpu.vector_store %arg8[%swap3A, %swap3A_58], %dot_general3A_37 {strides = array<i32>} : memref<64x64xf32, #tpu.memory_space<vmem>>, vector<64x64xf32>,
    } else {
    }
    %ne3A = arith.constant 0 : i32
    %ne3A_42 = arith.cmpi ne, %arg0, %ne3A : i32
    %convert_element_type3A_43 = arith.extui %ne3A_42 : i1 to i32
    %cond3A_44 = arith.constant 0 : i32
    %cond3A_45 = arith.cmpi ne, %convert_element_type3A_43, %cond3A_44 : i32
    scf.if %cond3A_45 {
      %get3A_58 = arith.constant 0 : index
      %get3A_59 = arith.constant 0 : index
      %get3A_60 = vector.load %arg8[%get3A_58, %get3A_59] : memref<64x64xf32, #tpu.memory_space<vmem>>, vector<64x64xf32>
      %add3A_61 = arith.addf %get3A_60, %dot_general3A_37 : vector<64x64xf32>
      %swap3A = arith.constant 0 : index
      %swap3A_62 = arith.constant 0 : index
      %swap3A_63 = vector.load %arg8[%swap3A, %swap3A_62] : memref<64x64xf32, #tpu.memory_space<vmem>>, vector<64x64xf32>
      tpu.vector_store %arg8[%swap3A, %swap3A_62], %add3A_61 {strides = array<i32>} : memref<64x64xf32, #tpu.memory_space<vmem>>, vector<64x64xf32>,
    } else {
    }
    %broadcast_in_dim3A_46 = vector.shape_cast %broadcast_in_dim3A_39 : vector<1x64xf32> to vector<1x64xf32>
    %broadcast_in_dim3A_47 = vector.broadcast %broadcast_in_dim3A_46 : vector<1x64xf32> to vector<8x64xf32>
    %eq3A_48 = arith.constant 0 : i32
    %eq3A_49 = arith.cmpi eq, %arg0, %eq3A_48 : i32
    %convert_element_type3A_50 = arith.extui %eq3A_49 : i1 to i32
    %cond3A_51 = arith.constant 0 : i32
    %cond3A_52 = arith.cmpi ne, %convert_element_type3A_50, %cond3A_51 : i32
    scf.if %cond3A_52 {
      %swap3A = arith.constant 0 : index
      %swap3A_58 = arith.constant 0 : index
      %swap3A_59 = vector.load %arg7[%swap3A, %swap3A_58] : memref<8x64xf32, #tpu.memory_space<vmem>>, vector<8x64xf32>
      tpu.vector_store %arg7[%swap3A, %swap3A_58], %broadcast_in_dim3A_47 {strides = array<i32>} : memref<8x64xf32, #tpu.memory_space<vmem>>, vector<8x64xf32>,
    } else {
    }
    %ne3A_53 = arith.constant 0 : i32
    %ne3A_54 = arith.cmpi ne, %arg0, %ne3A_53 : i32
    %convert_element_type3A_55 = arith.extui %ne3A_54 : i1 to i32
    %cond3A_56 = arith.constant 0 : i32
    %cond3A_57 = arith.cmpi ne, %convert_element_type3A_55, %cond3A_56 : i32
    scf.if %cond3A_57 {
      %get3A_58 = arith.constant 0 : index
      %get3A_59 = arith.constant 0 : index
      %get3A_60 = vector.load %arg7[%get3A_58, %get3A_59] : memref<8x64xf32, #tpu.memory_space<vmem>>, vector<8x64xf32>
      %add3A_61 = arith.addf %get3A_60, %broadcast_in_dim3A_47 : vector<8x64xf32>
      %swap3A = arith.constant 0 : index
      %swap3A_62 = arith.constant 0 : index
      %swap3A_63 = vector.load %arg7[%swap3A, %swap3A_62] : memref<8x64xf32, #tpu.memory_space<vmem>>, vector<8x64xf32>
      tpu.vector_store %arg7[%swap3A, %swap3A_62], %add3A_61 {strides = array<i32>} : memref<8x64xf32, #tpu.memory_space<vmem>>, vector<8x64xf32>,
    } else {
    }
    return
  }
  func.func @transform_0(%arg0: i32) -> (i32, i32, i32) {
    %c0_i32 = arith.constant 0 : i32
    %c0_i32_0 = arith.constant 0 : i32
    %c0_i32_1 = arith.constant 0 : i32
    return %arg0, %c0_i32, %c0_i32_0 : i32, i32, i32
  }
  func.func @transform_1(%arg0: i32) -> (i32, i32) {
    %c0_i32 = arith.constant 0 : i32
    %c0_i32_0 = arith.constant 0 : i32
    return %arg0, %c0_i32 : i32, i32
  }
  func.func @transform_2(%arg0: i32) -> (i32, i32) {
    %c0_i32 = arith.constant 0 : i32
    %c0_i32_0 = arith.constant 0 : i32
    return %arg0, %c0_i32 : i32, i32
  }
  func.func @transform_3(%arg0: i32) -> (i32, i32) {
    %c0_i32 = arith.constant 0 : i32
    %c0_i32_0 = arith.constant 0 : i32
    %c0_i32_1 = arith.constant 0 : i32
    return %c0_i32, %c0_i32_0 : i32, i32
  }
  func.func @transform_4(%arg0: i32) -> (i32, i32) {
    %c0_i32 = arith.constant 0 : i32
    %c0_i32_0 = arith.constant 0 : i32
    %c0_i32_1 = arith.constant 0 : i32
    return %c0_i32, %c0_i32_0 : i32, i32
  }
  func.func @transform_5(%arg0: i32) -> (i32, i32) {
    %c0_i32 = arith.constant 0 : i32
    %c0_i32_0 = arith.constant 0 : i32
    %c0_i32_1 = arith.constant 0 : i32
    return %c0_i32, %c0_i32_0 : i32, i32
  }
  func.func @transform_6(%arg0: i32) -> (i32, i32) {
    %c0_i32 = arith.constant 0 : i32
    %c0_i32_0 = arith.constant 0 : i32
    %c0_i32_1 = arith.constant 0 : i32
    return %c0_i32, %c0_i32_0 : i32, i32
  }
  func.func @transform_7(%arg0: i32) -> (i32, i32) {
    %c0_i32 = arith.constant 0 : i32
    %c0_i32_0 = arith.constant 0 : i32
    %c0_i32_1 = arith.constant 0 : i32
    return %c0_i32, %c0_i32_0 : i32, i32
  }
}

module attributes {stable_mosaic.version = 14 : i64} {
  func.func @_final_body(%arg0: i32, %arg1: memref<512x16x128xf32, #tpu.memory_space<vmem>>, %arg2: memref<512x16xf32, #tpu.memory_space<vmem>>, %arg3: memref<512x64xf32, #tpu.memory_space<vmem>>, %arg4: memref<512x64xf32, #tpu.memory_space<vmem>>, %arg5: memref<512x64xf32, #tpu.memory_space<vmem>>, %arg6: memref<16x64xf32, #tpu.memory_space<vmem>>, %arg7: memref<64x64xf32, #tpu.memory_space<vmem>>, %arg8: memref<8x64xf32, #tpu.memory_space<vmem>>, %arg9: memref<64x256xf32, #tpu.memory_space<vmem>>, %arg10: memref<8x256xf32, #tpu.memory_space<vmem>>, %arg11: memref<256x64xf32, #tpu.memory_space<vmem>>, %arg12: memref<64x64xf32, #tpu.memory_space<vmem>>, %arg13: memref<512x64xf32, #tpu.memory_space<vmem>>) attributes {dimension_semantics = [#tpu.dimension_semantics<arbitrary>], iteration_bounds = array<i64: 32>, scalar_prefetch = 0 : i64, scratch_operands = 0 : i64, tpu.core_type = #tpu.core_type<tc>, window_params = [{transform_indices = @transform_0, window_bounds = array<i64: 512, 16, 128>}, {transform_indices = @transform_1, window_bounds = array<i64: 512, 16>}, {transform_indices = @transform_2, window_bounds = array<i64: 512, 64>}, {transform_indices = @transform_3, window_bounds = array<i64: 512, 64>}, {transform_indices = @transform_4, window_bounds = array<i64: 512, 64>}, {pipeline_mode = #tpu.pipeline_mode<synchronous>, transform_indices = @transform_5, window_bounds = array<i64: 16, 64>}, {pipeline_mode = #tpu.pipeline_mode<synchronous>, transform_indices = @transform_6, window_bounds = array<i64: 64, 64>}, {pipeline_mode = #tpu.pipeline_mode<synchronous>, transform_indices = @transform_7, window_bounds = array<i64: 8, 64>}, {pipeline_mode = #tpu.pipeline_mode<synchronous>, transform_indices = @transform_8, window_bounds = array<i64: 64, 256>}, {pipeline_mode = #tpu.pipeline_mode<synchronous>, transform_indices = @transform_9, window_bounds = array<i64: 8, 256>}, {pipeline_mode = #tpu.pipeline_mode<synchronous>, transform_indices = @transform_10, window_bounds = array<i64: 256, 64>}, {pipeline_mode = #tpu.pipeline_mode<synchronous>, transform_indices = @transform_11, window_bounds = array<i64: 64, 64>}, {transform_indices = @transform_12, window_bounds = array<i64: 512, 64>}]} {
    %get3A = arith.constant 0 : index
    %get3A_0 = arith.constant 0 : index
    %get3A_1 = arith.constant 0 : index
    %get3A_2 = vector.load %arg1[%get3A, %get3A_0, %get3A_1] : memref<512x16x128xf32, #tpu.memory_space<vmem>>, vector<512x16x128xf32>
    %slice3A = vector.extract_strided_slice %get3A_2 {offsets = [0, 0, 64], sizes = [512, 16, 16], strides = [1, 1, 1]} : vector<512x16x128xf32> to vector<512x16x16xf32>
    %get3A_3 = arith.constant 0 : index
    %get3A_4 = arith.constant 0 : index
    %get3A_5 = vector.load %arg2[%get3A_3, %get3A_4] : memref<512x16xf32, #tpu.memory_space<vmem>>, vector<512x16xf32>
    %broadcast_in_dim3A = vector.shape_cast %get3A_5 : vector<512x16xf32> to vector<512x1x16xf32>
    %sub3A = vector.broadcast %broadcast_in_dim3A : vector<512x1x16xf32> to vector<512x16x16xf32>
    %sub3A_6 = arith.subf %sub3A, %slice3A : vector<512x16x16xf32>
    %reshape3A = vector.shape_cast %sub3A_6 : vector<512x16x16xf32> to vector<8192x16xf32>
    %get3A_7 = arith.constant 0 : index
    %get3A_8 = arith.constant 0 : index
    %get3A_9 = vector.load %arg6[%get3A_7, %get3A_8] : memref<16x64xf32, #tpu.memory_space<vmem>>, vector<16x64xf32>
    %dot_general3A = arith.constant dense<0.000000e+00> : vector<8192x64xf32>
    %dot_general3A_10 = tpu.matmul %reshape3A, %get3A_9, %dot_general3A {dimension_numbers = #tpu.dot_dimension_numbers<[1], [0], [0], [1], [0, 0, 1, 1], [], []>, transpose_lhs_hint = false} : vector<8192x16xf32>, vector<16x64xf32>, vector<8192x64xf32> -> vector<8192x64xf32>
    %get3A_11 = arith.constant 0 : index
    %get3A_12 = arith.constant 0 : index
    %get3A_13 = vector.load %arg8[%get3A_11, %get3A_12] : memref<8x64xf32, #tpu.memory_space<vmem>>, vector<1x64xf32>
    %add3A = vector.broadcast %get3A_13 : vector<1x64xf32> to vector<8192x64xf32>
    %add3A_14 = arith.addf %dot_general3A_10, %add3A : vector<8192x64xf32>
    %max3A = arith.constant 0.000000e+00 : f32
    %max3A_15 = vector.broadcast %max3A : f32 to vector<8192x64xf32>
    %max3A_16 = arith.maximumf %add3A_14, %max3A_15 : vector<8192x64xf32>
    %get3A_17 = arith.constant 0 : index
    %get3A_18 = arith.constant 0 : index
    %get3A_19 = vector.load %arg7[%get3A_17, %get3A_18] : memref<64x64xf32, #tpu.memory_space<vmem>>, vector<64x64xf32>
    %dot_general3A_20 = arith.constant dense<0.000000e+00> : vector<8192x64xf32>
    %dot_general3A_21 = tpu.matmul %max3A_16, %get3A_19, %dot_general3A_20 {dimension_numbers = #tpu.dot_dimension_numbers<[1], [0], [0], [1], [0, 0, 1, 1], [], []>, transpose_lhs_hint = false} : vector<8192x64xf32>, vector<64x64xf32>, vector<8192x64xf32> -> vector<8192x64xf32>
    %get3A_22 = arith.constant 1 : index
    %get3A_23 = arith.constant 0 : index
    %get3A_24 = vector.load %arg8[%get3A_22, %get3A_23] : memref<8x64xf32, #tpu.memory_space<vmem>>, vector<1x64xf32>
    %add3A_25 = vector.broadcast %get3A_24 : vector<1x64xf32> to vector<8192x64xf32>
    %add3A_26 = arith.addf %dot_general3A_21, %add3A_25 : vector<8192x64xf32>
    %get3A_27 = arith.constant 0 : index
    %get3A_28 = arith.constant 0 : index
    %get3A_29 = vector.load %arg3[%get3A_27, %get3A_28] : memref<512x64xf32, #tpu.memory_space<vmem>>, vector<512x64xf32>
    %broadcast_in_dim3A_30 = vector.shape_cast %get3A_29 : vector<512x64xf32> to vector<512x1x64xf32>
    %slice3A_31 = vector.extract_strided_slice %get3A_2 {offsets = [0, 0, 0], sizes = [512, 16, 64], strides = [1, 1, 1]} : vector<512x16x128xf32> to vector<512x16x64xf32>
    %sub3A_32 = vector.broadcast %broadcast_in_dim3A_30 : vector<512x1x64xf32> to vector<512x16x64xf32>
    %sub3A_33 = arith.subf %sub3A_32, %slice3A_31 : vector<512x16x64xf32>
    %reshape3A_34 = vector.shape_cast %sub3A_33 : vector<512x16x64xf32> to vector<8192x64xf32>
    %add3A_35 = arith.addf %reshape3A_34, %add3A_26 : vector<8192x64xf32>
    %get3A_36 = arith.constant 0 : index
    %get3A_37 = arith.constant 0 : index
    %get3A_38 = vector.load %arg9[%get3A_36, %get3A_37] : memref<64x256xf32, #tpu.memory_space<vmem>>, vector<64x256xf32>
    %dot_general3A_39 = arith.constant dense<0.000000e+00> : vector<8192x256xf32>
    %dot_general3A_40 = tpu.matmul %add3A_35, %get3A_38, %dot_general3A_39 {dimension_numbers = #tpu.dot_dimension_numbers<[1], [0], [0], [1], [0, 0, 1, 1], [], []>, transpose_lhs_hint = false} : vector<8192x64xf32>, vector<64x256xf32>, vector<8192x256xf32> -> vector<8192x256xf32>
    %get3A_41 = arith.constant 0 : index
    %get3A_42 = arith.constant 0 : index
    %get3A_43 = vector.load %arg10[%get3A_41, %get3A_42] : memref<8x256xf32, #tpu.memory_space<vmem>>, vector<1x256xf32>
    %add3A_44 = vector.broadcast %get3A_43 : vector<1x256xf32> to vector<8192x256xf32>
    %add3A_45 = arith.addf %dot_general3A_40, %add3A_44 : vector<8192x256xf32>
    %max3A_46 = arith.constant 0.000000e+00 : f32
    %max3A_47 = vector.broadcast %max3A_46 : f32 to vector<8192x256xf32>
    %max3A_48 = arith.maximumf %add3A_45, %max3A_47 : vector<8192x256xf32>
    %get3A_49 = arith.constant 0 : index
    %get3A_50 = arith.constant 0 : index
    %get3A_51 = vector.load %arg11[%get3A_49, %get3A_50] : memref<256x64xf32, #tpu.memory_space<vmem>>, vector<256x64xf32>
    %dot_general3A_52 = arith.constant dense<0.000000e+00> : vector<8192x64xf32>
    %dot_general3A_53 = tpu.matmul %max3A_48, %get3A_51, %dot_general3A_52 {dimension_numbers = #tpu.dot_dimension_numbers<[1], [0], [0], [1], [0, 0, 1, 1], [], []>, transpose_lhs_hint = false} : vector<8192x256xf32>, vector<256x64xf32>, vector<8192x64xf32> -> vector<8192x64xf32>
    %get3A_54 = arith.constant 2 : index
    %get3A_55 = arith.constant 0 : index
    %get3A_56 = vector.load %arg8[%get3A_54, %get3A_55] : memref<8x64xf32, #tpu.memory_space<vmem>>, vector<1x64xf32>
    %add3A_57 = vector.broadcast %get3A_56 : vector<1x64xf32> to vector<8192x64xf32>
    %add3A_58 = arith.addf %dot_general3A_53, %add3A_57 : vector<8192x64xf32>
    %reshape3A_59 = vector.shape_cast %add3A_58 : vector<8192x64xf32> to vector<512x16x64xf32>
    %reduce_max3A = arith.constant dense<0xFF800000> : vector<512x64xf32>
    %reduce_max3A_60 = vector.multi_reduction <maximumf>, %reshape3A_59, %reduce_max3A [1] : vector<512x16x64xf32> to vector<512x64xf32>
    %broadcast_in_dim3A_61 = vector.shape_cast %reduce_max3A_60 : vector<512x64xf32> to vector<512x1x64xf32>
    %sub3A_62 = vector.broadcast %broadcast_in_dim3A_61 : vector<512x1x64xf32> to vector<512x16x64xf32>
    %sub3A_63 = arith.subf %reshape3A_59, %sub3A_62 : vector<512x16x64xf32>
    %exp3A = math.exp %sub3A_63 : vector<512x16x64xf32>
    %reduce_sum3A = arith.constant dense<0.000000e+00> : vector<512x64xf32>
    %reduce_sum3A_64 = vector.multi_reduction <add>, %exp3A, %reduce_sum3A [1] : vector<512x16x64xf32> to vector<512x64xf32>
    %broadcast_in_dim3A_65 = vector.shape_cast %reduce_sum3A_64 : vector<512x64xf32> to vector<512x1x64xf32>
    %div3A = vector.broadcast %broadcast_in_dim3A_65 : vector<512x1x64xf32> to vector<512x16x64xf32>
    %div3A_66 = arith.divf %exp3A, %div3A : vector<512x16x64xf32>
    %get3A_67 = arith.constant 0 : index
    %get3A_68 = arith.constant 0 : index
    %get3A_69 = vector.load %arg4[%get3A_67, %get3A_68] : memref<512x64xf32, #tpu.memory_space<vmem>>, vector<512x64xf32>
    %broadcast_in_dim3A_70 = vector.shape_cast %get3A_69 : vector<512x64xf32> to vector<512x1x64xf32>
    %reshape3A_71 = vector.shape_cast %add3A_26 : vector<8192x64xf32> to vector<512x16x64xf32>
    %add3A_72 = vector.broadcast %broadcast_in_dim3A_70 : vector<512x1x64xf32> to vector<512x16x64xf32>
    %add3A_73 = arith.addf %add3A_72, %reshape3A_71 : vector<512x16x64xf32>
    %mul3A = arith.mulf %div3A_66, %add3A_73 : vector<512x16x64xf32>
    %reduce_sum3A_74 = arith.constant dense<0.000000e+00> : vector<512x64xf32>
    %reduce_sum3A_75 = vector.multi_reduction <add>, %mul3A, %reduce_sum3A_74 [1] : vector<512x16x64xf32> to vector<512x64xf32>
    %get3A_76 = arith.constant 0 : index
    %get3A_77 = arith.constant 0 : index
    %get3A_78 = vector.load %arg12[%get3A_76, %get3A_77] : memref<64x64xf32, #tpu.memory_space<vmem>>, vector<64x64xf32>
    %dot_general3A_79 = arith.constant dense<0.000000e+00> : vector<512x64xf32>
    %dot_general3A_80 = tpu.matmul %reduce_sum3A_75, %get3A_78, %dot_general3A_79 {dimension_numbers = #tpu.dot_dimension_numbers<[1], [0], [0], [1], [0, 0, 1, 1], [], []>, transpose_lhs_hint = false} : vector<512x64xf32>, vector<64x64xf32>, vector<512x64xf32> -> vector<512x64xf32>
    %get3A_81 = arith.constant 3 : index
    %get3A_82 = arith.constant 0 : index
    %get3A_83 = vector.load %arg8[%get3A_81, %get3A_82] : memref<8x64xf32, #tpu.memory_space<vmem>>, vector<1x64xf32>
    %add3A_84 = vector.broadcast %get3A_83 : vector<1x64xf32> to vector<512x64xf32>
    %add3A_85 = arith.addf %dot_general3A_80, %add3A_84 : vector<512x64xf32>
    %get3A_86 = arith.constant 0 : index
    %get3A_87 = arith.constant 0 : index
    %get3A_88 = vector.load %arg5[%get3A_86, %get3A_87] : memref<512x64xf32, #tpu.memory_space<vmem>>, vector<512x64xf32>
    %add3A_89 = arith.addf %add3A_85, %get3A_88 : vector<512x64xf32>
    %swap3A = arith.constant 0 : index
    %swap3A_90 = arith.constant 0 : index
    %swap3A_91 = vector.load %arg13[%swap3A, %swap3A_90] : memref<512x64xf32, #tpu.memory_space<vmem>>, vector<512x64xf32>
    tpu.vector_store %arg13[%swap3A, %swap3A_90], %add3A_89 {strides = array<i32>} : memref<512x64xf32, #tpu.memory_space<vmem>>, vector<512x64xf32>,
    return
  }
  func.func @transform_0(%arg0: i32) -> (i32, i32, i32) {
    %c0_i32 = arith.constant 0 : i32
    %c0_i32_0 = arith.constant 0 : i32
    %c0_i32_1 = arith.constant 0 : i32
    return %arg0, %c0_i32, %c0_i32_0 : i32, i32, i32
  }
  func.func @transform_1(%arg0: i32) -> (i32, i32) {
    %c0_i32 = arith.constant 0 : i32
    %c0_i32_0 = arith.constant 0 : i32
    return %arg0, %c0_i32 : i32, i32
  }
  func.func @transform_2(%arg0: i32) -> (i32, i32) {
    %c0_i32 = arith.constant 0 : i32
    %c0_i32_0 = arith.constant 0 : i32
    return %arg0, %c0_i32 : i32, i32
  }
  func.func @transform_3(%arg0: i32) -> (i32, i32) {
    %c0_i32 = arith.constant 0 : i32
    %c0_i32_0 = arith.constant 0 : i32
    return %arg0, %c0_i32 : i32, i32
  }
  func.func @transform_4(%arg0: i32) -> (i32, i32) {
    %c0_i32 = arith.constant 0 : i32
    %c0_i32_0 = arith.constant 0 : i32
    return %arg0, %c0_i32 : i32, i32
  }
  func.func @transform_5(%arg0: i32) -> (i32, i32) {
    %c0_i32 = arith.constant 0 : i32
    %c0_i32_0 = arith.constant 0 : i32
    %c0_i32_1 = arith.constant 0 : i32
    return %c0_i32, %c0_i32_0 : i32, i32
  }
  func.func @transform_6(%arg0: i32) -> (i32, i32) {
    %c0_i32 = arith.constant 0 : i32
    %c0_i32_0 = arith.constant 0 : i32
    %c0_i32_1 = arith.constant 0 : i32
    return %c0_i32, %c0_i32_0 : i32, i32
  }
  func.func @transform_7(%arg0: i32) -> (i32, i32) {
    %c0_i32 = arith.constant 0 : i32
    %c0_i32_0 = arith.constant 0 : i32
    %c0_i32_1 = arith.constant 0 : i32
    return %c0_i32, %c0_i32_0 : i32, i32
  }
  func.func @transform_8(%arg0: i32) -> (i32, i32) {
    %c0_i32 = arith.constant 0 : i32
    %c0_i32_0 = arith.constant 0 : i32
    %c0_i32_1 = arith.constant 0 : i32
    return %c0_i32, %c0_i32_0 : i32, i32
  }
  func.func @transform_9(%arg0: i32) -> (i32, i32) {
    %c0_i32 = arith.constant 0 : i32
    %c0_i32_0 = arith.constant 0 : i32
    %c0_i32_1 = arith.constant 0 : i32
    return %c0_i32, %c0_i32_0 : i32, i32
  }
  func.func @transform_10(%arg0: i32) -> (i32, i32) {
    %c0_i32 = arith.constant 0 : i32
    %c0_i32_0 = arith.constant 0 : i32
    %c0_i32_1 = arith.constant 0 : i32
    return %c0_i32, %c0_i32_0 : i32, i32
  }
  func.func @transform_11(%arg0: i32) -> (i32, i32) {
    %c0_i32 = arith.constant 0 : i32
    %c0_i32_0 = arith.constant 0 : i32
    %c0_i32_1 = arith.constant 0 : i32
    return %c0_i32, %c0_i32_0 : i32, i32
  }
  func.func @transform_12(%arg0: i32) -> (i32, i32) {
    %c0_i32 = arith.constant 0 : i32
    %c0_i32_0 = arith.constant 0 : i32
    return %arg0, %c0_i32 : i32, i32
  }
}

</mosaic_0001>

<sc_bundles>
// kernel: kernel.7.cloned.1.call-start
scs
__scs_entry_jumppad:
0x0: {  	(pc) =	sbr.rel $0x88, $3  }
0x1: {  	(tag) =	ssettag $0x0;
	lr =	simm.s32 $0x1  }
0x2: {  	[smem:$0x3F8B] =	sst lr;
	_ =	strace $0xD0000000  }
0x3: {  	_ = 	snop  }
0x4: {  	_ = 	snop  }
0x5: {  	_ = 	snop  }
0x6: {  	_ = 	snop  }
0x7: {  	_ = 	snop  }
__scs_overlays_trampoline_lowered:
0x8: {  	[smem:$0x3F9A] =	sst s0  }
0x9: {  	[smem:$0x3F9B] =	sst s1  }
0xa: {  	[smem:$0x3F9C] =	sst s2  }
0xb: {  	[smem:$0x3F9D] =	sst s3  }
0xc: {  	[smem:$0x3F9E] =	sst s4  }
0xd: {  	[smem:$0x3F9F] =	sst s5  }
0xe: {  	[smem:$0x3FA0] =	sst s6  }
0xf: {  	[smem:$0x3FA1] =	sst s7  }
0x10: {  	[smem:$0x3FA2] =	sst s8  }
0x11: {  	[smem:$0x3FA3] =	sst s9;
	s0 =	simm.s32 @!p0 $0x0  }
0x12: {  	s1 =	sld [smem:$0x3F89];
	s0 =	simm.s32 @p0 $0x1  }
0x13: {  	[smem:$0x3FA4] =	sst s0;
	s0 =	simm.s32 @!p1 $0x0  }
0x14: {  	s2 =	sld [smem:$0x3F88];
	s0 =	simm.s32 @p1 $0x1  }
0x15: {  	[smem:$0x3FA5] =	sst s0;
	s0 =	simm.s32 @!p2 $0x0  }
0x16: {  	s3 =	sld [smem:$0x3FDB];
	s0 =	simm.s32 @p2 $0x1  }
0x17: {  	s4 =	simm.s32 $0x1BF5;
	[smem:$0x3FA7] =	sst s0  }
0x18: {  	s0 =	sld [smem:$0x3F8A];
	_ =	swait.ge [sflag:s4], $0x0  }
0x19: {  	s7 =	sld [smem:$0x3F8B]  }
0x1a: {  	s8 =	sadd.s32 $0xFFFFE003, lr  }
0x1b: {  	s9 =	sadd.s32 $0xFFFFFEF7, lr;
	s5 =	simm.s32 $0xFFFFFFFF;
	p2 =	slt.u32 s8, $0xFFFFF086  }
0x1c: {  	p1 =	slt.u32 s9, $0xF7A;
	s5 =	simm.s32 @!p2 $0x0  }
0x1d: {  	s5 =	simm.s32 @p1 $0x1;
	p0 =	seq.s32 s7, s2  }
0x1e: {  	s7 =	smul.u32 @!p0 $0xF7A, s2;
	p2 =	seq.s32 @!p0 s5, $0x0  }
0x1f: {  	s9 =	smul.u32 $0xF7A, s1;
	s8 =	simm.s32 @!p0 $0x1BF5;
	p2 =	por !p2, p0  }
0x20: {  	[sflag:s8] =	ssyncset.s32 @!p0 $0xFFFFF086;
	s6 =	sadd.s32 @!p0 s3, s7;
	s7 =	simm.s32 @!p0 $0x108  }
0x21: {  	s3 =	sadd.s32 s3, s9;
	s6 =	sadd.s32 @!p0 $0x88, s6;
	s7 =	simm.s32 @p2 $0x1082  }
0x22: {  	[simem:s7], [sflag:s8] =	dma.local @!p0 [hbm:s6], $0xF7A  }
0x23: {  	s9 =	sor.u32 $0xD0000000, s2;
	s6 =	simm.s32 $0x108;
	_ =	swait.ge @!p0 [sflag:s8], $0x0  }
0x24: {  	s3 =	sadd.s32 $0x88, s3;
	s6 =	simm.s32 @!p1 $0x1082;
	[sflag:s4] =	ssyncset.s32 $0xFFFFF086  }
0x25: {  	[simem:s6], [sflag:s4] =	dma.local [hbm:s3], $0xF7A  }
0x26: {  	[smem:$0x3F8B] =	sst s1;
	(tag) =	ssettag s2;
	_ =	strace s9  }
0x27: {  	s1 =	sld [smem:$0x3F9B]  }
0x28: {  	s2 =	sld [smem:$0x3F9C]  }
0x29: {  	s4 =	sld [smem:$0x3F9E]  }
0x2a: {  	p0 =	seq.s32 s5, $0x0;
	s5 =	sld [smem:$0x3F9F]  }
0x2b: {  	s6 =	sld [smem:$0x3FA0]  }
0x2c: {  	s7 =	sld [smem:$0x3FA1]  }
0x2d: {  	s3 =	simm.s32 $0x108;
	s8 =	sld [smem:$0x3FA2]  }
0x2e: {  	s3 =	simm.s32 @!p0 $0x1082;
	s9 =	sld [smem:$0x3FA3]  }
0x2f: {  	lr =	sadd.s32 s0, s3;
	s0 =	sld [smem:$0x3F9A]  }
0x30: {  	s3 =	sld [smem:$0x3F9D]  }
0x31: {  	[smem:$0x3FA6] =	sst s10  }
0x32: {  	s10 =	sld [smem:$0x3FA4];
	_ =	sdelay $0x3  }
0x33: {  	p0 =	seq.s32 s10, $0x1;
	s10 =	sld [smem:$0x3FA6];
	_ =	sdelay $0x3  }
0x34: {  	[smem:$0x3FA6] =	sst s10  }
0x35: {  	s10 =	sld [smem:$0x3FA5];
	_ =	sdelay $0x3  }
0x36: {  	p1 =	seq.s32 s10, $0x1;
	s10 =	sld [smem:$0x3FA6];
	_ =	sdelay $0x3  }
0x37: {  	[smem:$0x3FA6] =	sst s10  }
0x38: {  	s10 =	sld [smem:$0x3FA7]  }
0x39: {  	_ = 	snop;
	(pc) =	sbr.ind lr, $3  }
0x3a: {  	_ = 	snop  }
0x3b: {  	_ = 	snop  }
0x3c: {  	p2 =	seq.s32 s10, $0x1;
	s10 =	sld [smem:$0x3FA6]  }
0x3d: {  	_ =	shalt  }
0x3e: {  	_ =	shalt  }
0x3f: {  	_ =	shalt  }
0x40: {  	_ =	shalt  }
0x41: {  	_ =	shalt  }
0x42: {  	_ =	shalt  }
0x43: {  	_ =	shalt  }
0x44: {  	_ =	shalt  }
0x45: {  	_ =	shalt  }
0x46: {  	_ =	shalt  }
0x47: {  	_ =	shalt  }
0x48: {  	_ =	shalt  }
0x49: {  	_ =	shalt  }
0x4a: {  	_ =	shalt  }
0x4b: {  	_ =	shalt  }
0x4c: {  	_ =	shalt  }
0x4d: {  	_ =	shalt  }
0x4e: {  	_ =	shalt  }
0x4f: {  	_ =	shalt  }
0x50: {  	_ =	shalt  }
0x51: {  	_ =	shalt  }
0x52: {  	_ =	shalt  }
0x53: {  	_ =	shalt  }
0x54: {  	_ =	shalt  }
0x55: {  	_ =	shalt  }
0x56: {  	_ =	shalt  }
0x57: {  	_ =	shalt  }
0x58: {  	_ =	shalt  }
0x59: {  	_ =	shalt  }
0x5a: {  	_ =	shalt  }
0x5b: {  	_ =	shalt  }
0x5c: {  	_ =	shalt  }
0x5d: {  	_ =	shalt  }
0x5e: {  	_ =	shalt  }
0x5f: {  	_ =	shalt  }
0x60: {  	_ =	shalt  }
0x61: {  	_ =	shalt  }
0x62: {  	_ =	shalt  }
0x63: {  	_ =	shalt  }
0x64: {  	_ =	shalt  }
0x65: {  	_ =	shalt  }
0x66: {  	_ =	shalt  }
0x67: {  	_ =	shalt  }
0x68: {  	_ =	shalt  }
0x69: {  	_ =	shalt  }
0x6a: {  	_ =	shalt  }
0x6b: {  	_ =	shalt  }
0x6c: {  	_ =	shalt  }
0x6d: {  	_ =	shalt  }
0x6e: {  	_ =	shalt  }
0x6f: {  	_ =	shalt  }
0x70: {  	_ =	shalt  }
0x71: {  	_ =	shalt  }
0x72: {  	_ =	shalt  }
0x73: {  	_ =	shalt  }
0x74: {  	_ =	shalt  }
0x75: {  	_ =	shalt  }
0x76: {  	_ =	shalt  }
0x77: {  	_ =	shalt  }
0x78: {  	_ =	shalt  }
0x79: {  	_ =	shalt  }
0x7a: {  	_ =	shalt  }
0x7b: {  	_ =	shalt  }
0x7c: {  	_ =	shalt  }
0x7d: {  	_ =	shalt  }
0x7e: {  	_ =	shalt  }
0x7f: {  	_ =	shalt  }
0x80: {  	_ =	shalt  }
0x81: {  	_ =	shalt  }
0x82: {  	_ =	shalt  }
0x83: {  	_ =	shalt  }
0x84: {  	_ =	shalt  }
0x85: {  	_ =	shalt  }
0x86: {  	_ =	shalt  }
0x87: {  	_ =	shalt  }
.Lfunc_end0:
.L_simem_size_0:
called_computation_lowered:
.L_overlay_start_0:
0x88: {  	s2 =	sld [smem:$0x3FD9]  }
0x89: {  	s3 =	sld [smem:$0x3FFE];
	_ =	sdelay $0x1  }
0x8a: {  	s1 =	srdreg.scid  }
0x8b: {  	s0 =	sand.u32 $0x1, s1  }
0x8c: {  	s17 =	sshll.u32 s0, $0xA;
	s2 =	sadd.s32 s3, s2  }
0x8d: {  	s2 =	sadd.s32 s2, s17  }
0x8e: {  	[smem:$0x3FB2] =	sst s2  }
0x8f: {  	_ = 	snop  }
0x90: {  	s2 =	sld [smem:$0x3FD0];
	(tm) =	ssettm $0x1  }
0x91: {  	s18 =	sld [smem:$0x3FFB];
	_ =	sdelay $0x3  }
0x92: {  	_ =	strace s18  }
0x93: {  	s3 =	sld [smem:$0x3FFC];
	_ =	sdelay $0x3  }
0x94: {  	_ =	strace s3  }
0x95: {  	s3 =	sld [smem:$0x3FFD];
	_ =	sdelay $0x3  }
0x96: {  	_ =	strace s3  }
0x97: {  	_ =	strace $0x8FFFFFFF  }
0x98: {  	s19 =	sld [smem:$0x3FDB];
	_ =	sdelay $0x1  }
0x99: {  	s4 =	simm.s32 $_scs_section_size  }
0x9a: {  	s5 =	simm.s32 $_size__tile_overlayer_lowered;
	s6 =	simm.s32 $_tile_overlayer_lowered  }
0x9b: {  	s22 =	simm.s32 $0x1BFF;
	s21 =	sshll.u32 s6, $0x1;
	s3 =	sadd.s32 s4, s19  }
0x9c: {  	s7 =	simm.s32 $0x0;
	s20 =	sshll.u32 s5, $0x1;
	s5 =	sadd.s32 s21, s3  }
0x9d: {  	[timem:s7], [sflag:s22] =	dma.local [hbm:s5], s20  }
0x9e: {  	_ =	swait.ge [sflag:s22], s20  }
0x9f: {  	s4 =	ssub.s32 $0x0, s20;
	[sflag:s22] =	ssyncset.done $0x0  }
0xa0: {  	[sflag:s22] =	ssyncadd.s32 s4;
	_ =	sdelay $0x1  }
0xa1: {  	s23 =	simm.s32 $0x1B8B  }
0xa2: {  	_ =	swait.ge [sflag:s23], $0x1  }
0xa3: {  	[sflag:s23] =	ssyncset.done $0x0  }
0xa4: {  	s25 =	simm.s32 $0x1B8E;
	s24 =	sld [smem:$0x3FFE];
	[sflag:s23] =	ssyncadd.s32 $0xFFFFFFFF  }
0xa5: {  	s26 =	simm.s32 $execute0_lowered;
	[smem:$0x3FD2] =	sst s25  }
0xa6: {  	s5 =	sshll.u32 s26, $0x1;
	_ =	strace $0x80000046;
	[dreg:$0x1] =	wrdreg $0xFFFFFFFF  }
0xa7: {  	s28 =	simm.s32 $_size_execute0_lowered;
	s3 =	sadd.s32 s3, s5;
	[dreg:$0x0] =	wrdreg $0x0  }
0xa8: {  	s5 =	sshll.u32 s28, $0x1;
	[dreg:$0x2] =	wrdreg s3  }
0xa9: {  	[dreg:$0x3] =	wrdreg s5  }
0xaa: {  	[dreg:$0x4] =	wrdreg $0xC0  }
0xab: {  	_ =	task [dreg:s7], $0x5FFFF  }
0xac: {  	[dreg:$0x1] =	wrdreg $0xFFFFFFFF  }
0xad: {  	[dreg:$0x0] =	wrdreg $0x60  }
0xae: {  	[dreg:$0x2] =	wrdreg s24  }
0xaf: {  	[dreg:$0x3] =	wrdreg s2  }
0xb0: {  	[dreg:$0x4] =	wrdreg $0x9  }
0xb1: {  	_ =	task.clear_ibuf [dreg:s7], $0x5FFFF;
	_ =	strace $0x90000046  }
0xb2: {  	s29 =	simm.s32 $0x9;
	_ =	strace $0x80000048  }
0xb3: {  	_ =	swait.ge [sflag:s29], $0x1  }
0xb4: {  	[sflag:s29] =	ssyncadd.s32 $0xFFFFFFFF  }
0xb5: {  	_ =	strace $0x90000048  }
0xb6: {  	_ =	sfence  }
0xb7: {  	s30 =	sld [smem:$0x0];
	_ =	sdelay $0x2  }
0xb8: {  	s31 =	sshll.u32 s1, $0xD;
	s1 =	sshrl.u32 s1, $0x2  }
0xb9: {  	s3 =	sand.u32 $0x4000, s31;
	s1 =	sadd.s32 s1, s30  }
0xba: {  	s0 =	sor.u32 s3, s0;
	s1 =	sshll.u32 s1, $0x11  }
0xbb: {  	s0 =	sor.u32 s1, s0  }
0xbc: {  	s0 =	sadd.s32 $0x8F2B, s0  }
0xbd: {  	[sflag:s0] =	ssyncadd.remote.s32 $0x1  }
0xbe: {  	_ =	sfence.sel $0xFFFF  }
0xbf: {  	[dreg:$0x0] =	wrdreg $0xFFFFFFFF;
	(pc) =	sbr.abs _section_cstart, $3  }
0xc0: {  	[dreg:$0x1] =	wrdreg $0xFFFFFFFF  }
0xc1: {  	_ =	task.clear_ibuf [dreg:s7], $0x2FFFF;
	_ =	strace $0x9FFFFFFF  }
0xc2: {  	(tm) =	ssettm $0x7FFFFFFF  }
0xc3: {  	_ =	shalt  }
tec
execute0_lowered:
.L_overlay_start_1:
0x0: {  	(tag) =	ssettag $0x1  }
0x1: {  	s4 =	rddreg [dreg:$0x0]  }
0x2: {  	s5 =	rddreg [dreg:$0x1]  }
0x3: {  	s0 =	rddreg [dreg:$0x2];
	s1 =	simm.s32 $0x0  }
0x4: {  	s6 =	srdreg.scid;
	s2 =	stileid.u32;
	s13 =	simm.s32 $0x2000  }
0x5: {  	s14 =	simm.s32 $0x6000;
	s15 =	simm.s32 $0x100;
	s16 =	simm.s32 $0xA000  }
0x6: {  	s17 =	simm.s32 $0x180;
	s18 =	simm.s32 $0xE000;
	s19 =	simm.s32 $0x1  }
0x7: {  	s20 =	simm.s32 $0x2;
	s21 =	simm.s32 $0x3;
	s22 =	simm.s32 $0x4  }
0x8: {  	s23 =	simm.s32 $0x0;
	[smem:$0x7FF] =	sst s1;
	s3 =	sadd.s32 $0x83C00, s4  }
0x9: {  	s9 =	sand.u32 $0x1, s6;
	s7 =	sshll.u32 s2, $0xE;
	s10 =	sadd.s32 $0x183C00, s4  }
0xa: {  	s12 =	sshll.u32 s2, $0x12;
	_ =	strace $0x80000047;
	s8 =	sshll.u32 s9, $0xD  }
0xb: {  	s6 =	ssub.s32 $0x2, s9;
	s31 =	sshll.u32 s9, $0x11;
	s7 =	sor.u32 s8, s7  }
0xc: {  	s29 =	sshrl.u32 s6, $0x1;
	s30 =	sshrl.u32 s7, $0x3;
	s7 =	sshll.u32 s7, $0x4  }
0xd: {  	s6 =	ssub.s32 s6, s29;
	s4 =	sadd.s32 s5, s30;
	s11 =	sadd.s32 s10, s7  }
0xe: {  	s5 =	smax.u32 s6, $0x1;
	s10 =	sadd.s32 s12, s10;
	s12 =	simm.s32 $0x80  }
0xf: {  	s6 =	sadd.s32 $0x1E000, s11;
	s7 =	sadd.s32 $0x1E800, s11;
	s8 =	sadd.s32 $0x1F000, s11  }
0x10: {  	s9 =	sadd.s32 $0x1F800, s11;
	s10 =	sadd.s32 s31, s10;
	s11 =	simm.s32 $0x5  }
.LBB2_1:
0x11: {  	[tilespmem:s1], [sflag:$0x5] =	stream.linear.gather [hbm4b:s4+s1], $0x2000, $0x38;
	[tilespmem:$0x12000] =	vst v63  }
0x12: {  	_ =	swait.ge [sflag:s11], $0x2000  }
0x13: {  	[sflag:s11] =	ssyncset.done $0x0  }
0x14: {  	[sflag:s11] =	ssyncadd.s32 $0xFFFFE000  }
0x15: {  	[tilespmem:s13], [sflag:$0x1] =	stream.indirect.gather [hbm4b:s3+s12], $0x80, s1, s12, $0xb8;
	[tilespmem:$0x12000] =	vst v63  }
0x16: {  	_ = 	snop  }
0x17: {  	[tilespmem:s14], [sflag:$0x2] =	stream.indirect.gather [hbm4b:s3+s12], $0x80, s12, s12, $0xb8;
	[tilespmem:$0x12000] =	vst v63  }
0x18: {  	_ = 	snop  }
0x19: {  	[tilespmem:s16], [sflag:$0x3] =	stream.indirect.gather [hbm4b:s3+s12], $0x80, s15, s12, $0xb8;
	[tilespmem:$0x12000] =	vst v63  }
0x1a: {  	_ = 	snop  }
0x1b: {  	[tilespmem:s18], [sflag:$0x4] =	stream.indirect.gather [hbm4b:s3+s12], $0x80, s17, s12, $0xb8;
	[tilespmem:$0x12000] =	vst v63  }
0x1c: {  	_ =	swait.ge [sflag:s19], $0x4000  }
0x1d: {  	[sflag:s19] =	ssyncset.done $0x0  }
0x1e: {  	s24 =	sadd.s32 $0x0, s10;
	[sflag:s19] =	ssyncadd.s32 $0xFFFFC000  }
0x1f: {  	[hbm4b:s24+s1] =	stream.linear.scatter [tilespmem:s13], [sflag:$0x5], $0x4000, $0x38;
	[tilespmem:$0x12000] =	vst v63  }
0x20: {  	_ =	swait.ge [sflag:s11], $0x4000  }
0x21: {  	[sflag:s11] =	ssyncset.done $0x0  }
0x22: {  	s25 =	simm.s32 $0x200;
	[sflag:s11] =	ssyncadd.s32 $0xFFFFC000  }
0x23: {  	[tilespmem:s13], [sflag:$0x1] =	stream.indirect.gather [hbm4b:s3+s12], $0x80, s25, s12, $0xb8;
	[tilespmem:$0x12000] =	vst v63  }
0x24: {  	_ =	swait.ge [sflag:s20], $0x4000  }
0x25: {  	[sflag:s20] =	ssyncset.done $0x0  }
0x26: {  	s28 =	sadd.s32 $0x800, s24;
	[sflag:s20] =	ssyncadd.s32 $0xFFFFC000  }
0x27: {  	[hbm4b:s28+s1] =	stream.linear.scatter [tilespmem:s14], [sflag:$0x5], $0x4000, $0x38;
	[tilespmem:$0x12000] =	vst v63  }
0x28: {  	_ =	swait.ge [sflag:s11], $0x4000  }
0x29: {  	[sflag:s11] =	ssyncset.done $0x0  }
0x2a: {  	s29 =	simm.s32 $0x280;
	[sflag:s11] =	ssyncadd.s32 $0xFFFFC000  }
0x2b: {  	[tilespmem:s14], [sflag:$0x2] =	stream.indirect.gather [hbm4b:s3+s12], $0x80, s29, s12, $0xb8;
	[tilespmem:$0x12000] =	vst v63  }
0x2c: {  	_ =	swait.ge [sflag:s21], $0x4000  }
0x2d: {  	[sflag:s21] =	ssyncset.done $0x0  }
0x2e: {  	s30 =	sadd.s32 $0x1000, s24;
	[sflag:s21] =	ssyncadd.s32 $0xFFFFC000  }
0x2f: {  	[hbm4b:s30+s1] =	stream.linear.scatter [tilespmem:s16], [sflag:$0x5], $0x4000, $0x38;
	[tilespmem:$0x12000] =	vst v63  }
0x30: {  	_ =	swait.ge [sflag:s11], $0x4000  }
0x31: {  	[sflag:s11] =	ssyncset.done $0x0  }
0x32: {  	s31 =	simm.s32 $0x300;
	[sflag:s11] =	ssyncadd.s32 $0xFFFFC000  }
0x33: {  	[tilespmem:s16], [sflag:$0x3] =	stream.indirect.gather [hbm4b:s3+s12], $0x80, s31, s12, $0xb8;
	[tilespmem:$0x12000] =	vst v63  }
0x34: {  	_ =	swait.ge [sflag:s22], $0x4000  }
0x35: {  	[sflag:s22] =	ssyncset.done $0x0  }
0x36: {  	s24 =	sadd.s32 $0x1800, s24;
	[sflag:s22] =	ssyncadd.s32 $0xFFFFC000  }
0x37: {  	[hbm4b:s24+s1] =	stream.linear.scatter [tilespmem:s18], [sflag:$0x5], $0x4000, $0x38;
	[tilespmem:$0x12000] =	vst v63  }
0x38: {  	_ =	swait.ge [sflag:s11], $0x4000  }
0x39: {  	s26 =	simm.s32 $0x580;
	[sflag:s11] =	ssyncset.done $0x0  }
0x3a: {  	s25 =	simm.s32 $0x2000;
	s24 =	simm.s32 $0x380;
	[sflag:s11] =	ssyncadd.s32 $0xFFFFC000  }
.LBB2_2:
0x3b: {  	[tilespmem:s18], [sflag:$0x4] =	stream.indirect.gather [hbm4b:s3+s12], $0x80, s24, s12, $0xb8;
	[tilespmem:$0x12000] =	vst v63  }
0x3c: {  	s28 =	smov.u32 s25;
	s24 =	smov.u32 s26  }
0x3d: {  	p0 =	sne.s32 s25, $0x1C000;
	s25 =	sadd.s32 $0x2000, s25;
	_ =	swait.ge [sflag:s19], $0x4000  }
0x3e: {  	[sflag:s19] =	ssyncset.done $0x0  }
0x3f: {  	s28 =	sadd.s32 s28, s10;
	[sflag:s19] =	ssyncadd.s32 $0xFFFFC000  }
0x40: {  	[hbm4b:s28+s1] =	stream.linear.scatter [tilespmem:s13], [sflag:$0x5], $0x4000, $0x38;
	[tilespmem:$0x12000] =	vst v63  }
0x41: {  	_ =	swait.ge [sflag:s11], $0x4000  }
0x42: {  	[sflag:s11] =	ssyncset.done $0x0  }
0x43: {  	s29 =	sadd.s32 $0xFFFFFE80, s26;
	[sflag:s11] =	ssyncadd.s32 $0xFFFFC000  }
0x44: {  	[tilespmem:s13], [sflag:$0x1] =	stream.indirect.gather [hbm4b:s3+s12], $0x80, s29, s12, $0xb8;
	[tilespmem:$0x12000] =	vst v63  }
0x45: {  	_ =	swait.ge [sflag:s20], $0x4000  }
0x46: {  	[sflag:s20] =	ssyncset.done $0x0  }
0x47: {  	s29 =	sadd.s32 $0x800, s28;
	[sflag:s20] =	ssyncadd.s32 $0xFFFFC000  }
0x48: {  	[hbm4b:s29+s1] =	stream.linear.scatter [tilespmem:s14], [sflag:$0x5], $0x4000, $0x38;
	[tilespmem:$0x12000] =	vst v63  }
0x49: {  	_ =	swait.ge [sflag:s11], $0x4000  }
0x4a: {  	[sflag:s11] =	ssyncset.done $0x0  }
0x4b: {  	s29 =	sadd.s32 $0xFFFFFF00, s26;
	[sflag:s11] =	ssyncadd.s32 $0xFFFFC000  }
0x4c: {  	[tilespmem:s14], [sflag:$0x2] =	stream.indirect.gather [hbm4b:s3+s12], $0x80, s29, s12, $0xb8;
	[tilespmem:$0x12000] =	vst v63  }
0x4d: {  	_ =	swait.ge [sflag:s21], $0x4000  }
0x4e: {  	[sflag:s21] =	ssyncset.done $0x0  }
0x4f: {  	s29 =	sadd.s32 $0x1000, s28;
	[sflag:s21] =	ssyncadd.s32 $0xFFFFC000  }
0x50: {  	[hbm4b:s29+s1] =	stream.linear.scatter [tilespmem:s16], [sflag:$0x5], $0x4000, $0x38;
	[tilespmem:$0x12000] =	vst v63  }
0x51: {  	_ =	swait.ge [sflag:s11], $0x4000  }
0x52: {  	[sflag:s11] =	ssyncset.done $0x0  }
0x53: {  	s29 =	sadd.s32 $0xFFFFFF80, s26;
	[sflag:s11] =	ssyncadd.s32 $0xFFFFC000  }
0x54: {  	[tilespmem:s16], [sflag:$0x3] =	stream.indirect.gather [hbm4b:s3+s12], $0x80, s29, s12, $0xb8;
	[tilespmem:$0x12000] =	vst v63  }
0x55: {  	_ =	swait.ge [sflag:s22], $0x4000  }
0x56: {  	[sflag:s22] =	ssyncset.done $0x0  }
.Ltmp0:
0x57: {  	s28 =	sadd.s32 $0x1800, s28;
	[sflag:s22] =	ssyncadd.s32 $0xFFFFC000;
	(pc) =	sbr.rel @p0 .LBB2_2-.Ltmp0, $4  }
0x58: {  	[hbm4b:s28+s1] =	stream.linear.scatter [tilespmem:s18], [sflag:$0x5], $0x4000, $0x38;
	[tilespmem:$0x12000] =	vst v63  }
0x59: {  	_ =	swait.ge [sflag:s11], $0x4000  }
0x5a: {  	[sflag:s11] =	ssyncset.done $0x0  }
0x5b: {  	s26 =	sadd.s32 $0x200, s26;
	[sflag:s11] =	ssyncadd.s32 $0xFFFFC000  }
0x5c: {  	[tilespmem:s18], [sflag:$0x4] =	stream.indirect.gather [hbm4b:s3+s12], $0x80, s24, s12, $0xb8;
	[tilespmem:$0x12000] =	vst v63  }
0x5d: {  	_ =	swait.ge [sflag:s19], $0x4000  }
0x5e: {  	[sflag:s19] =	ssyncset.done $0x0  }
0x5f: {  	[sflag:s19] =	ssyncadd.s32 $0xFFFFC000  }
0x60: {  	[hbm4b:s6+s1] =	stream.linear.scatter [tilespmem:s13], [sflag:$0x5], $0x4000, $0x38;
	[tilespmem:$0x12000] =	vst v63  }
0x61: {  	_ =	swait.ge [sflag:s11], $0x4000  }
0x62: {  	[sflag:s11] =	ssyncset.done $0x0  }
0x63: {  	[sflag:s11] =	ssyncadd.s32 $0xFFFFC000  }
0x64: {  	_ =	swait.ge [sflag:s20], $0x4000  }
0x65: {  	[sflag:s20] =	ssyncset.done $0x0  }
0x66: {  	[sflag:s20] =	ssyncadd.s32 $0xFFFFC000  }
0x67: {  	[hbm4b:s7+s1] =	stream.linear.scatter [tilespmem:s14], [sflag:$0x5], $0x4000, $0x38;
	[tilespmem:$0x12000] =	vst v63  }
0x68: {  	_ =	swait.ge [sflag:s11], $0x4000  }
0x69: {  	[sflag:s11] =	ssyncset.done $0x0  }
0x6a: {  	[sflag:s11] =	ssyncadd.s32 $0xFFFFC000  }
0x6b: {  	_ =	swait.ge [sflag:s21], $0x4000  }
0x6c: {  	[sflag:s21] =	ssyncset.done $0x0  }
0x6d: {  	[sflag:s21] =	ssyncadd.s32 $0xFFFFC000  }
0x6e: {  	[hbm4b:s8+s1] =	stream.linear.scatter [tilespmem:s16], [sflag:$0x5], $0x4000, $0x38;
	[tilespmem:$0x12000] =	vst v63  }
0x6f: {  	_ =	swait.ge [sflag:s11], $0x4000  }
0x70: {  	[sflag:s11] =	ssyncset.done $0x0  }
0x71: {  	[sflag:s11] =	ssyncadd.s32 $0xFFFFC000  }
0x72: {  	s23 =	sadd.s32 $0x1, s23;
	_ =	swait.ge [sflag:s22], $0x4000  }
0x73: {  	p0 =	sne.s32 s23, s5;
	[sflag:s22] =	ssyncset.done $0x0  }
.Ltmp1:
0x74: {  	[sflag:s22] =	ssyncadd.s32 $0xFFFFC000;
	(pc) =	sbr.rel @p0 .LBB2_1-.Ltmp1, $4  }
0x75: {  	[hbm4b:s9+s1] =	stream.linear.scatter [tilespmem:s18], [sflag:$0x5], $0x4000, $0x38;
	[tilespmem:$0x12000] =	vst v63  }
0x76: {  	_ =	swait.ge [sflag:s11], $0x4000  }
0x77: {  	[sflag:s11] =	ssyncset.done $0x0  }
0x78: {  	[sflag:s11] =	ssyncadd.s32 $0xFFFFC000  }
0x79: {  	_ =	sfence.sel $0x180000  }
0x7a: {  	[bflag:$0x0] =	sbarrier.arrive $0xFFFF  }
0x7b: {  	p0 =	sne.s32 s2, $0x0;
	_ =	strace $0x90000047  }
0x7c: {  	s0 =	sadd.s32 @!p0 $0x100000, s0;
	[bflag:$0x2] =	sbarrier.arrive $0xFFFF  }
0x7d: {  	[sflag:s0] =	ssyncadd.tile.s32 @!p0 $0x1;
	_ =	shalt  }
.Lfunc_end2:
_tile_overlayer_lowered:
.L_overlay_start_2:
0x7e: {  	(tag) =	ssettag $0x2  }
0x7f: {  	s0 =	rddreg [dreg:$0x0];
	s2 =	stileid.u32  }
0x80: {  	s1 =	rddreg [dreg:$0x1];
	p0 =	sne.s32 s2, $0x0  }
0x81: {  	s3 =	rddreg [dreg:$0x2];
	[bflag:$0x3] =	sbarrier.arrive $0xFFFF;
	s2 =	simm.s32 @!p0 $0x1C05  }
0x82: {  	[timem:s3], [sflag:s2] =	dma.local @!p0 [hbm:s0], s1  }
0x83: {  	s0 =	simm.s32 @!p0 $0x5  }
0x84: {  	_ =	swait.ge @!p0 [sflag:s0], s1  }
0x85: {  	s1 =	ssub.s32 @!p0 $0x0, s1;
	[sflag:s0] =	ssyncset.done @!p0 $0x0  }
0x86: {  	[sflag:s0] =	ssyncadd.s32 @!p0 s1  }
0x87: {  	[bflag:$0x3] =	sbarrier.arrive $0xFFFF  }
0x88: {  	_ =	shalt  }

</sc_bundles>
